<compile_context>
chip_gen: v7x
topology: tpu7x:2x2x1
jax: 0.10.2.dev20260603
libtpu: 0.0.44.dev20260713+nightly
codegen_flags: <defaults>
</compile_context>

<pallas_src>
import dataclasses
import functools

import jax
import jax.numpy as jnp
from jax import lax
from jax.experimental import pallas as pl
from jax.experimental.pallas import tpu as pltpu
from jax.experimental.pallas import tpu_sc as plsc

_EMBED_DIM = 64
_SEQ = 550
_N_IDX = 16384

_NC = 2
_NS = 16
_NLANE = 16

_BLK_N = 28672
_P_LEN = 4 * _BLK_N
_NPART = 8
_SLICE = _P_LEN // _NPART
_B_POS = _P_LEN - _NLANE
_NVREG = _N_IDX // _NLANE
_HVREG = _NVREG // 2
_SPLIT_VREG = _SEQ // _NLANE
_SPLIT_LANE = _SEQ % _NLANE


def _tc_project(table_t, fc1_w, fc1_b):
  n_steps = _P_LEN // _BLK_N

  def body(t_ref, w_ref, b_ref, p_ref):
    p_ref[...] = jnp.dot(
        w_ref[...], t_ref[...], preferred_element_type=jnp.float32
    )

    @pl.when(pl.program_id(0) == n_steps - 1)
    def _():
      p_ref[0, pl.ds(_BLK_N - _NLANE, _NLANE)] = jnp.broadcast_to(
          b_ref[0, 0], (_NLANE,)
      )

  return pl.pallas_call(
      body,
      grid=(n_steps,),
      in_specs=[
          pl.BlockSpec((_EMBED_DIM, _BLK_N), lambda j: (0, j)),
          pl.BlockSpec((1, _EMBED_DIM), lambda j: (0, 0)),
          pl.BlockSpec((1, 1), lambda j: (0, 0), memory_space=pltpu.SMEM),
      ],
      out_specs=pl.BlockSpec((1, _BLK_N), lambda j: (0, j)),
      out_shape=jax.ShapeDtypeStruct((1, _P_LEN), jnp.float32),
  )(table_t, fc1_w, fc1_b.reshape(1, 1))


def _sc_bag_sigmoid(x1d, p1d):
  mesh = plsc.VectorSubcoreMesh(core_axis_name="c", subcore_axis_name="s")
  cp = pltpu.CompilerParams()
  if "needs_layout_passes" in pltpu.CompilerParams.__dataclass_fields__:
    cp = dataclasses.replace(cp, needs_layout_passes=False)

  @functools.partial(
      pl.kernel,
      out_type=jax.ShapeDtypeStruct((_NC * _NLANE,), jnp.float32),
      mesh=mesh,
      compiler_params=cp,
      scratch_types=[
          pltpu.VMEM((_SLICE,), jnp.float32),
          pltpu.VMEM((_N_IDX // 2,), jnp.int32),
          pltpu.VMEM((2, _NLANE), jnp.float32),
          pltpu.VMEM((_NS, 2, _NLANE), jnp.float32),
          pltpu.VMEM((_NLANE,), jnp.float32),
          pltpu.VMEM_SHARED((_NS, 2, _NLANE), jnp.float32),
          pltpu.SemaphoreType.DMA,
          pltpu.SemaphoreType.DMA,
      ],
  )
  def k(x_hbm, p_hbm, out_hbm, p_v, x_v, acc_v, all_v, res_v, shared, sem,
        sem2):
    cid = lax.axis_index("c")
    sid = lax.axis_index("s")
    part = sid // 2
    half = sid % 2
    lo = part * _SLICE
    cp_p = pltpu.async_copy(p_hbm.at[pl.ds(lo, _SLICE)], p_v, sem)
    cp_x = pltpu.async_copy(
        x_hbm.at[pl.ds(half * (_N_IDX // 2), _N_IDX // 2)], x_v, sem2
    )
    cp_p.wait()
    cp_x.wait()

    lane = lax.iota(jnp.int32, 16)
    zero = jnp.zeros((_NLANE,), jnp.float32)
    zeros4 = (zero,) * 4

    def contrib(j, lane_mask=None):
      idxv = x_v[pl.ds(j * _NLANE, _NLANE)]
      local = idxv - lo
      m = local.astype(jnp.uint32) < jnp.uint32(_SLICE)
      if lane_mask is not None:
        m = m & lane_mask
      g = plsc.load_gather(p_v, [local], mask=m)
      return jnp.where(m, g, 0.0)

    def unrolled4(start, accs):
      return tuple(a + contrib(start + u) for u, a in enumerate(accs))

    def sum4(a4):
      return (a4[0] + a4[1]) + (a4[2] + a4[3])

    @pl.when(half == 0)
    def _():
      a4 = lax.fori_loop(0, 8, lambda j, a: unrolled4(j * 4, a), zeros4)
      acc0 = sum4(a4) + contrib(32) + contrib(33)
      acc0 = acc0 + contrib(_SPLIT_VREG, lane < _SPLIT_LANE)
      b4 = lax.fori_loop(
          0, (_HVREG - 36) // 4, lambda j, a: unrolled4(36 + j * 4, a), zeros4
      )
      acc1 = sum4(b4)
      acc1 = acc1 + contrib(_SPLIT_VREG, lane >= _SPLIT_LANE) + contrib(35)
      acc_v[0, pl.ds(0, _NLANE)] = acc0
      acc_v[1, pl.ds(0, _NLANE)] = acc1

    @pl.when(half == 1)
    def _():
      b4 = lax.fori_loop(
          0, _HVREG // 4, lambda j, a: unrolled4(j * 4, a), zeros4
      )
      acc_v[0, pl.ds(0, _NLANE)] = zero
      acc_v[1, pl.ds(0, _NLANE)] = sum4(b4)
    pltpu.sync_copy(acc_v, shared.at[sid])
    plsc.subcore_barrier()

    @pl.when(sid == _NS - 1)
    def _():
      pltpu.sync_copy(shared, all_v)

      def add_row(s, carry):
        a0, a1 = carry
        return (
            a0 + all_v[s, 0, pl.ds(0, _NLANE)],
            a1 + all_v[s, 1, pl.ds(0, _NLANE)],
        )

      t0, t1 = lax.fori_loop(0, _NS, add_row, (zero, zero))
      s0 = jnp.sum(t0)
      s1 = jnp.sum(t1)
      bvec = p_v[pl.ds(_B_POS - (_NPART - 1) * _SLICE, _NLANE)]
      b = bvec[0]
      z0 = s0 * (1.0 / _SEQ) + b
      z1 = s1 * (1.0 / (_N_IDX - _SEQ)) + b
      sig0 = 1.0 / (1.0 + jnp.exp(jnp.broadcast_to(-z0, (_NLANE,))))
      sig1 = 1.0 / (1.0 + jnp.exp(jnp.broadcast_to(-z1, (_NLANE,))))
      res_v[...] = 0.5 * (sig0 + sig1)
      pltpu.sync_copy(res_v, out_hbm.at[pl.ds(cid * _NLANE, _NLANE)])

  return k(x1d, p1d)


def kernel(x, table, fc1_w, fc1_b):
  x1d = x.astype(jnp.int32).reshape(_N_IDX)
  p = _tc_project(table.T, fc1_w, fc1_b)
  out = _sc_bag_sigmoid(x1d, p.reshape(_P_LEN))
  return out[0]

# --- scband reference (transcript-rebuilt; emitter-appended) ---
"""Pipeline reference for scband-linearclassifier-70557722739405 (READ-ONLY COPY).

The authoritative reference and input builder live on the scoring server;
editing this copy changes nothing except your own understanding.
"""

import jax, jax.numpy as jnp
import numpy as np

VOCAB = 100000
EMBED_DIM = 64
SEQ = 550
OUT = 1
N_IDX = 16384


def setup_inputs(seed: int = 0):
    key = jax.random.key(seed)
    k1, k2, k3, k4 = jax.random.split(key, 4)
    x = jax.random.randint(k1, (N_IDX,), 0, VOCAB)
    table = jax.random.normal(k2, (VOCAB + 1, EMBED_DIM), dtype=jnp.float32)
    fc1_w = jax.random.normal(k3, (OUT, EMBED_DIM), dtype=jnp.float32) * (1.0 / np.sqrt(EMBED_DIM))
    fc1_b = jax.random.normal(k4, (OUT,), dtype=jnp.float32) * 0.01
    return {"x": x, "table": table, "fc1_w": fc1_w, "fc1_b": fc1_b}


def reference(x, table, fc1_w, fc1_b):
    # nn.EmbeddingBag(mode='mean') with offsets [0, SEQ]: two bags
    emb = jnp.take(table, x, axis=0)  # [N_IDX, EMBED_DIM] gather
    bag0 = jnp.mean(emb[:SEQ], axis=0)
    bag1 = jnp.mean(emb[SEQ:], axis=0)
    xe = jnp.stack([bag0, bag1], axis=0)  # [2, EMBED_DIM]
    x1 = jax.nn.sigmoid(xe @ fc1_w.T + fc1_b)  # [2, OUT]
    return jnp.mean(x1)

if __name__ == "__main__":
    import jax
    _d = setup_inputs()
    print(jax.jit(kernel)(*tuple(_d.values())))

</pallas_src>

<mosaic_0001>
#map = affine_map<(d0, d1) -> (0)>
module attributes {stable_mosaic.version = 14 : i64} {
  func.func @k(%arg0: i32, %arg1: i32, %arg2: memref<16384xi32, #tpu.memory_space<hbm>>, %arg3: memref<114688xf32, #tpu.memory_space<hbm>>, %arg4: memref<32xf32, #tpu.memory_space<hbm>>, %arg5: memref<14336xf32, #tpu.memory_space<vmem>>, %arg6: memref<8192xi32, #tpu.memory_space<vmem>>, %arg7: memref<2x16xf32, #tpu.memory_space<vmem>>, %arg8: memref<16x2x16xf32, #tpu.memory_space<vmem>>, %arg9: memref<16xf32, #tpu.memory_space<vmem>>, %arg10: memref<16x2x16xf32, #tpu.memory_space<vmem_shared>>, %arg11: memref<!tpu.dma_semaphore, #tpu.memory_space<semaphore_mem>>, %arg12: memref<!tpu.dma_semaphore, #tpu.memory_space<semaphore_mem>>) attributes {dimension_semantics = [#tpu.dimension_semantics<core_parallel>, #tpu.dimension_semantics<subcore_parallel>], iteration_bounds = array<i64: 2, 16>, scalar_prefetch = 0 : i64, scratch_operands = 8 : i64, tpu.core_type = #tpu.core_type<sc_vector_subcore>, window_params = [{transform_indices = #map}, {transform_indices = #map}, {transform_indices = #map}]} {
    %jit3A = arith.constant 2 : i32
    %div3A = arith.divsi %arg1, %jit3A : i32
    %sign3A = arith.constant 0 : i32
    %sign3A_0 = arith.cmpi sgt, %arg1, %sign3A : i32
    %sign3A_1 = arith.extui %sign3A_0 : i1 to i32
    %sign3A_2 = arith.constant 0 : i32
    %sign3A_3 = arith.cmpi slt, %arg1, %sign3A_2 : i32
    %sign3A_4 = arith.extui %sign3A_3 : i1 to i32
    %sign3A_5 = arith.subi %sign3A_1, %sign3A_4 : i32
    %sign3A_6 = arith.constant 0 : i32
    %sign3A_7 = arith.cmpi sgt, %jit3A, %sign3A_6 : i32
    %sign3A_8 = arith.extui %sign3A_7 : i1 to i32
    %sign3A_9 = arith.constant 0 : i32
    %sign3A_10 = arith.cmpi slt, %jit3A, %sign3A_9 : i32
    %sign3A_11 = arith.extui %sign3A_10 : i1 to i32
    %sign3A_12 = arith.subi %sign3A_8, %sign3A_11 : i32
    %ne3A = arith.cmpi ne, %sign3A_5, %sign3A_12 : i32
    %rem3A = arith.remsi %arg1, %jit3A : i32
    %ne3A_13 = arith.constant 0 : i32
    %ne3A_14 = arith.cmpi ne, %rem3A, %ne3A_13 : i32
    %and3A = arith.andi %ne3A, %ne3A_14 : i1
    %sub3A = arith.constant 1 : i32
    %sub3A_15 = arith.subi %div3A, %sub3A : i32
    %select_n3A = arith.select %and3A, %sub3A_15, %div3A : i32
    %jit3A_16 = arith.constant 2 : i32
    %eq3A = arith.constant 0 : i32
    %eq3A_17 = arith.cmpi eq, %jit3A_16, %eq3A : i32
    %jit3A_18 = arith.constant 1 : i32
    %select_n3A_19 = arith.select %eq3A_17, %jit3A_18, %jit3A_16 : i32
    %rem3A_20 = arith.remsi %arg1, %select_n3A_19 : i32
    %ne3A_21 = arith.constant 0 : i32
    %ne3A_22 = arith.cmpi ne, %rem3A_20, %ne3A_21 : i32
    %lt3A = arith.constant 0 : i32
    %lt3A_23 = arith.cmpi slt, %rem3A_20, %lt3A : i32
    %lt3A_24 = arith.constant 0 : i32
    %lt3A_25 = arith.cmpi slt, %select_n3A_19, %lt3A_24 : i32
    %ne3A_26 = arith.xori %lt3A_23, %lt3A_25 : i1
    %and3A_27 = arith.andi %ne3A_26, %ne3A_22 : i1
    %add3A = arith.addi %rem3A_20, %select_n3A_19 : i32
    %select_n3A_28 = arith.select %and3A_27, %add3A, %rem3A_20 : i32
    %mul3A = arith.constant 14336 : i32
    %mul3A_29 = arith.muli %select_n3A, %mul3A : i32
    %dma_start3A = tpu.memref_slice %arg3[%mul3A_29] : memref<114688xf32, #tpu.memory_space<hbm>> -> memref<14336xf32, #tpu.memory_space<hbm>>
    %dma_start3A_30 = tpu.memref_slice %arg3[%mul3A_29] : memref<114688xf32, #tpu.memory_space<hbm>> -> memref<14336xf32, #tpu.memory_space<hbm>>
    tpu.enqueue_dma source(%dma_start3A_30 : memref<14336xf32, #tpu.memory_space<hbm>>) target(%arg5 : memref<14336xf32, #tpu.memory_space<vmem>>) target_semaphore(%arg11 : memref<!tpu.dma_semaphore, #tpu.memory_space<semaphore_mem>>)
    %mul3A_31 = arith.constant 8192 : i32
    %mul3A_32 = arith.muli %select_n3A_28, %mul3A_31 : i32
    %dma_start3A_33 = tpu.memref_slice %arg2[%mul3A_32] : memref<16384xi32, #tpu.memory_space<hbm>> -> memref<8192xi32, #tpu.memory_space<hbm>>
    %dma_start3A_34 = tpu.memref_slice %arg2[%mul3A_32] : memref<16384xi32, #tpu.memory_space<hbm>> -> memref<8192xi32, #tpu.memory_space<hbm>>
    tpu.enqueue_dma source(%dma_start3A_34 : memref<8192xi32, #tpu.memory_space<hbm>>) target(%arg6 : memref<8192xi32, #tpu.memory_space<vmem>>) target_semaphore(%arg12 : memref<!tpu.dma_semaphore, #tpu.memory_space<semaphore_mem>>)
    %dma_wait3A = tpu.memref_slice %arg3[%mul3A_29] : memref<114688xf32, #tpu.memory_space<hbm>> -> memref<14336xf32, #tpu.memory_space<hbm>>
    %dma_wait3A_35 = tpu.memref_slice %arg3[%mul3A_29] : memref<114688xf32, #tpu.memory_space<hbm>> -> memref<14336xf32, #tpu.memory_space<hbm>>
    tpu.wait_dma2 semaphore(%arg11 : memref<!tpu.dma_semaphore, #tpu.memory_space<semaphore_mem>>) src(%dma_wait3A_35 : memref<14336xf32, #tpu.memory_space<hbm>>) dst(%arg5 : memref<14336xf32, #tpu.memory_space<vmem>>)
    %dma_wait3A_36 = tpu.memref_slice %arg2[%mul3A_32] : memref<16384xi32, #tpu.memory_space<hbm>> -> memref<8192xi32, #tpu.memory_space<hbm>>
    %dma_wait3A_37 = tpu.memref_slice %arg2[%mul3A_32] : memref<16384xi32, #tpu.memory_space<hbm>> -> memref<8192xi32, #tpu.memory_space<hbm>>
    tpu.wait_dma2 semaphore(%arg12 : memref<!tpu.dma_semaphore, #tpu.memory_space<semaphore_mem>>) src(%dma_wait3A_37 : memref<8192xi32, #tpu.memory_space<hbm>>) dst(%arg6 : memref<8192xi32, #tpu.memory_space<vmem>>)
    %iota3A = tpu.iota {dimensions = array<i32: 0>} : vector<16xi32>
    %broadcast_in_dim3A = arith.constant 0.000000e+00 : f32
    %broadcast_in_dim3A_38 = vector.broadcast %broadcast_in_dim3A : f32 to vector<16xf32>
    %eq3A_39 = arith.constant 0 : i32
    %eq3A_40 = arith.cmpi eq, %select_n3A_28, %eq3A_39 : i32
    %convert_element_type3A = arith.extui %eq3A_40 : i1 to i32
    %cond3A = arith.constant 0 : i32
    %cond3A_41 = arith.cmpi ne, %convert_element_type3A, %cond3A : i32
    scf.if %cond3A_41 {
      %scan3A = arith.constant 0 : i32
      %scan3A_52 = arith.constant 8 : i32
      %scan3A_53 = arith.addi %scan3A, %scan3A_52 : i32
      %scan3A_54 = arith.constant 1 : i32
      %scan3A_55:4 = scf.for %scan3A_141 = %scan3A to %scan3A_53 step %scan3A_54 iter_args(%scan3A_142 = %broadcast_in_dim3A_38, %scan3A_143 = %broadcast_in_dim3A_38, %scan3A_144 = %broadcast_in_dim3A_38, %scan3A_145 = %broadcast_in_dim3A_38) -> (vector<16xf32>, vector<16xf32>, vector<16xf32>, vector<16xf32>)  : i32 {
        %mul3A_146 = arith.constant 4 : i32
        %mul3A_147 = arith.muli %scan3A_141, %mul3A_146 : i32
        %add3A_148 = arith.constant 0 : i32
        %add3A_149 = arith.addi %mul3A_147, %add3A_148 : i32
        %mul3A_150 = arith.constant 16 : i32
        %mul3A_151 = arith.muli %add3A_149, %mul3A_150 : i32
        %get3A_152 = arith.index_cast %mul3A_151 : i32 to index
        %get3A_153 = tpu.vector_load %arg6[%get3A_152] {strides = array<i32>} : memref<8192xi32, #tpu.memory_space<vmem>>, vector<16xi32>,
        %sub3A_154 = vector.broadcast %mul3A_29 : i32 to vector<16xi32>
        %sub3A_155 = arith.subi %get3A_153, %sub3A_154 : vector<16xi32>
        %lt3A_156 = arith.constant 14336 : i32
        %lt3A_157 = vector.broadcast %lt3A_156 : i32 to vector<16xi32>
        %lt3A_158 = arith.cmpi ult, %sub3A_155, %lt3A_157 : vector<16xi32>
        %gather3A_159 = tpu.vector_load_idx %arg5[%sub3A_155] masked %lt3A_158 : memref<14336xf32, #tpu.memory_space<vmem>>[vector<16xi32>], vector<16xf32>, vector<16xi1>
        %jit3A_160 = arith.constant 0.000000e+00 : f32
        %broadcast_in_dim3A_161 = vector.broadcast %jit3A_160 : f32 to vector<16xf32>
        %select_n3A_162 = arith.select %lt3A_158, %gather3A_159, %broadcast_in_dim3A_161 : vector<16xi1>, vector<16xf32>
        %add3A_163 = arith.addf %scan3A_142, %select_n3A_162 : vector<16xf32>
        %add3A_164 = arith.constant 1 : i32
        %add3A_165 = arith.addi %mul3A_147, %add3A_164 : i32
        %mul3A_166 = arith.constant 16 : i32
        %mul3A_167 = arith.muli %add3A_165, %mul3A_166 : i32
        %get3A_168 = arith.index_cast %mul3A_167 : i32 to index
        %get3A_169 = tpu.vector_load %arg6[%get3A_168] {strides = array<i32>} : memref<8192xi32, #tpu.memory_space<vmem>>, vector<16xi32>,
        %sub3A_170 = vector.broadcast %mul3A_29 : i32 to vector<16xi32>
        %sub3A_171 = arith.subi %get3A_169, %sub3A_170 : vector<16xi32>
        %lt3A_172 = arith.constant 14336 : i32
        %lt3A_173 = vector.broadcast %lt3A_172 : i32 to vector<16xi32>
        %lt3A_174 = arith.cmpi ult, %sub3A_171, %lt3A_173 : vector<16xi32>
        %gather3A_175 = tpu.vector_load_idx %arg5[%sub3A_171] masked %lt3A_174 : memref<14336xf32, #tpu.memory_space<vmem>>[vector<16xi32>], vector<16xf32>, vector<16xi1>
        %jit3A_176 = arith.constant 0.000000e+00 : f32
        %broadcast_in_dim3A_177 = vector.broadcast %jit3A_176 : f32 to vector<16xf32>
        %select_n3A_178 = arith.select %lt3A_174, %gather3A_175, %broadcast_in_dim3A_177 : vector<16xi1>, vector<16xf32>
        %add3A_179 = arith.addf %scan3A_143, %select_n3A_178 : vector<16xf32>
        %add3A_180 = arith.constant 2 : i32
        %add3A_181 = arith.addi %mul3A_147, %add3A_180 : i32
        %mul3A_182 = arith.constant 16 : i32
        %mul3A_183 = arith.muli %add3A_181, %mul3A_182 : i32
        %get3A_184 = arith.index_cast %mul3A_183 : i32 to index
        %get3A_185 = tpu.vector_load %arg6[%get3A_184] {strides = array<i32>} : memref<8192xi32, #tpu.memory_space<vmem>>, vector<16xi32>,
        %sub3A_186 = vector.broadcast %mul3A_29 : i32 to vector<16xi32>
        %sub3A_187 = arith.subi %get3A_185, %sub3A_186 : vector<16xi32>
        %lt3A_188 = arith.constant 14336 : i32
        %lt3A_189 = vector.broadcast %lt3A_188 : i32 to vector<16xi32>
        %lt3A_190 = arith.cmpi ult, %sub3A_187, %lt3A_189 : vector<16xi32>
        %gather3A_191 = tpu.vector_load_idx %arg5[%sub3A_187] masked %lt3A_190 : memref<14336xf32, #tpu.memory_space<vmem>>[vector<16xi32>], vector<16xf32>, vector<16xi1>
        %jit3A_192 = arith.constant 0.000000e+00 : f32
        %broadcast_in_dim3A_193 = vector.broadcast %jit3A_192 : f32 to vector<16xf32>
        %select_n3A_194 = arith.select %lt3A_190, %gather3A_191, %broadcast_in_dim3A_193 : vector<16xi1>, vector<16xf32>
        %add3A_195 = arith.addf %scan3A_144, %select_n3A_194 : vector<16xf32>
        %add3A_196 = arith.constant 3 : i32
        %add3A_197 = arith.addi %mul3A_147, %add3A_196 : i32
        %mul3A_198 = arith.constant 16 : i32
        %mul3A_199 = arith.muli %add3A_197, %mul3A_198 : i32
        %get3A_200 = arith.index_cast %mul3A_199 : i32 to index
        %get3A_201 = tpu.vector_load %arg6[%get3A_200] {strides = array<i32>} : memref<8192xi32, #tpu.memory_space<vmem>>, vector<16xi32>,
        %sub3A_202 = vector.broadcast %mul3A_29 : i32 to vector<16xi32>
        %sub3A_203 = arith.subi %get3A_201, %sub3A_202 : vector<16xi32>
        %lt3A_204 = arith.constant 14336 : i32
        %lt3A_205 = vector.broadcast %lt3A_204 : i32 to vector<16xi32>
        %lt3A_206 = arith.cmpi ult, %sub3A_203, %lt3A_205 : vector<16xi32>
        %gather3A_207 = tpu.vector_load_idx %arg5[%sub3A_203] masked %lt3A_206 : memref<14336xf32, #tpu.memory_space<vmem>>[vector<16xi32>], vector<16xf32>, vector<16xi1>
        %jit3A_208 = arith.constant 0.000000e+00 : f32
        %broadcast_in_dim3A_209 = vector.broadcast %jit3A_208 : f32 to vector<16xf32>
        %select_n3A_210 = arith.select %lt3A_206, %gather3A_207, %broadcast_in_dim3A_209 : vector<16xi1>, vector<16xf32>
        %add3A_211 = arith.addf %scan3A_145, %select_n3A_210 : vector<16xf32>
        scf.yield %add3A_163, %add3A_179, %add3A_195, %add3A_211 : vector<16xf32>, vector<16xf32>, vector<16xf32>, vector<16xf32>
      }
      %scan3A_56 = arith.constant 8 : i32
      %add3A_57 = arith.addf %scan3A_55#0, %scan3A_55#1 : vector<16xf32>
      %add3A_58 = arith.addf %scan3A_55#2, %scan3A_55#3 : vector<16xf32>
      %add3A_59 = arith.addf %add3A_57, %add3A_58 : vector<16xf32>
      %get3A = arith.constant 512 : index
      %get3A_60 = tpu.vector_load %arg6[%get3A] {strides = array<i32>} : memref<8192xi32, #tpu.memory_space<vmem>>, vector<16xi32>,
      %sub3A_61 = vector.broadcast %mul3A_29 : i32 to vector<16xi32>
      %sub3A_62 = arith.subi %get3A_60, %sub3A_61 : vector<16xi32>
      %lt3A_63 = arith.constant 14336 : i32
      %lt3A_64 = vector.broadcast %lt3A_63 : i32 to vector<16xi32>
      %lt3A_65 = arith.cmpi ult, %sub3A_62, %lt3A_64 : vector<16xi32>
      %gather3A = tpu.vector_load_idx %arg5[%sub3A_62] masked %lt3A_65 : memref<14336xf32, #tpu.memory_space<vmem>>[vector<16xi32>], vector<16xf32>, vector<16xi1>
      %jit3A_66 = arith.constant 0.000000e+00 : f32
      %broadcast_in_dim3A_67 = vector.broadcast %jit3A_66 : f32 to vector<16xf32>
      %select_n3A_68 = arith.select %lt3A_65, %gather3A, %broadcast_in_dim3A_67 : vector<16xi1>, vector<16xf32>
      %add3A_69 = arith.addf %add3A_59, %select_n3A_68 : vector<16xf32>
      %get3A_70 = arith.constant 528 : index
      %get3A_71 = tpu.vector_load %arg6[%get3A_70] {strides = array<i32>} : memref<8192xi32, #tpu.memory_space<vmem>>, vector<16xi32>,
      %sub3A_72 = vector.broadcast %mul3A_29 : i32 to vector<16xi32>
      %sub3A_73 = arith.subi %get3A_71, %sub3A_72 : vector<16xi32>
      %lt3A_74 = arith.constant 14336 : i32
      %lt3A_75 = vector.broadcast %lt3A_74 : i32 to vector<16xi32>
      %lt3A_76 = arith.cmpi ult, %sub3A_73, %lt3A_75 : vector<16xi32>
      %gather3A_77 = tpu.vector_load_idx %arg5[%sub3A_73] masked %lt3A_76 : memref<14336xf32, #tpu.memory_space<vmem>>[vector<16xi32>], vector<16xf32>, vector<16xi1>
      %jit3A_78 = arith.constant 0.000000e+00 : f32
      %broadcast_in_dim3A_79 = vector.broadcast %jit3A_78 : f32 to vector<16xf32>
      %select_n3A_80 = arith.select %lt3A_76, %gather3A_77, %broadcast_in_dim3A_79 : vector<16xi1>, vector<16xf32>
      %add3A_81 = arith.addf %add3A_69, %select_n3A_80 : vector<16xf32>
      %lt3A_82 = arith.constant 6 : i32
      %lt3A_83 = vector.broadcast %lt3A_82 : i32 to vector<16xi32>
      %lt3A_84 = arith.cmpi slt, %iota3A, %lt3A_83 : vector<16xi32>
      %get3A_85 = arith.constant 544 : index
      %get3A_86 = tpu.vector_load %arg6[%get3A_85] {strides = array<i32>} : memref<8192xi32, #tpu.memory_space<vmem>>, vector<16xi32>,
      %sub3A_87 = vector.broadcast %mul3A_29 : i32 to vector<16xi32>
      %sub3A_88 = arith.subi %get3A_86, %sub3A_87 : vector<16xi32>
      %lt3A_89 = arith.constant 14336 : i32
      %lt3A_90 = vector.broadcast %lt3A_89 : i32 to vector<16xi32>
      %lt3A_91 = arith.cmpi ult, %sub3A_88, %lt3A_90 : vector<16xi32>
      %and3A_92 = arith.andi %lt3A_91, %lt3A_84 : vector<16xi1>
      %gather3A_93 = tpu.vector_load_idx %arg5[%sub3A_88] masked %and3A_92 : memref<14336xf32, #tpu.memory_space<vmem>>[vector<16xi32>], vector<16xf32>, vector<16xi1>
      %jit3A_94 = arith.constant 0.000000e+00 : f32
      %broadcast_in_dim3A_95 = vector.broadcast %jit3A_94 : f32 to vector<16xf32>
      %select_n3A_96 = arith.select %and3A_92, %gather3A_93, %broadcast_in_dim3A_95 : vector<16xi1>, vector<16xf32>
      %add3A_97 = arith.addf %add3A_81, %select_n3A_96 : vector<16xf32>
      %scan3A_98 = arith.constant 0 : i32
      %scan3A_99 = arith.constant 119 : i32
      %scan3A_100 = arith.addi %scan3A_98, %scan3A_99 : i32
      %scan3A_101 = arith.constant 1 : i32
      %scan3A_102:4 = scf.for %scan3A_141 = %scan3A_98 to %scan3A_100 step %scan3A_101 iter_args(%scan3A_142 = %broadcast_in_dim3A_38, %scan3A_143 = %broadcast_in_dim3A_38, %scan3A_144 = %broadcast_in_dim3A_38, %scan3A_145 = %broadcast_in_dim3A_38) -> (vector<16xf32>, vector<16xf32>, vector<16xf32>, vector<16xf32>)  : i32 {
        %mul3A_146 = arith.constant 4 : i32
        %mul3A_147 = arith.muli %scan3A_141, %mul3A_146 : i32
        %add3A_148 = arith.constant 36 : i32
        %add3A_149 = arith.addi %add3A_148, %mul3A_147 : i32
        %add3A_150 = arith.constant 0 : i32
        %add3A_151 = arith.addi %add3A_149, %add3A_150 : i32
        %mul3A_152 = arith.constant 16 : i32
        %mul3A_153 = arith.muli %add3A_151, %mul3A_152 : i32
        %get3A_154 = arith.index_cast %mul3A_153 : i32 to index
        %get3A_155 = tpu.vector_load %arg6[%get3A_154] {strides = array<i32>} : memref<8192xi32, #tpu.memory_space<vmem>>, vector<16xi32>,
        %sub3A_156 = vector.broadcast %mul3A_29 : i32 to vector<16xi32>
        %sub3A_157 = arith.subi %get3A_155, %sub3A_156 : vector<16xi32>
        %lt3A_158 = arith.constant 14336 : i32
        %lt3A_159 = vector.broadcast %lt3A_158 : i32 to vector<16xi32>
        %lt3A_160 = arith.cmpi ult, %sub3A_157, %lt3A_159 : vector<16xi32>
        %gather3A_161 = tpu.vector_load_idx %arg5[%sub3A_157] masked %lt3A_160 : memref<14336xf32, #tpu.memory_space<vmem>>[vector<16xi32>], vector<16xf32>, vector<16xi1>
        %jit3A_162 = arith.constant 0.000000e+00 : f32
        %broadcast_in_dim3A_163 = vector.broadcast %jit3A_162 : f32 to vector<16xf32>
        %select_n3A_164 = arith.select %lt3A_160, %gather3A_161, %broadcast_in_dim3A_163 : vector<16xi1>, vector<16xf32>
        %add3A_165 = arith.addf %scan3A_142, %select_n3A_164 : vector<16xf32>
        %add3A_166 = arith.constant 1 : i32
        %add3A_167 = arith.addi %add3A_149, %add3A_166 : i32
        %mul3A_168 = arith.constant 16 : i32
        %mul3A_169 = arith.muli %add3A_167, %mul3A_168 : i32
        %get3A_170 = arith.index_cast %mul3A_169 : i32 to index
        %get3A_171 = tpu.vector_load %arg6[%get3A_170] {strides = array<i32>} : memref<8192xi32, #tpu.memory_space<vmem>>, vector<16xi32>,
        %sub3A_172 = vector.broadcast %mul3A_29 : i32 to vector<16xi32>
        %sub3A_173 = arith.subi %get3A_171, %sub3A_172 : vector<16xi32>
        %lt3A_174 = arith.constant 14336 : i32
        %lt3A_175 = vector.broadcast %lt3A_174 : i32 to vector<16xi32>
        %lt3A_176 = arith.cmpi ult, %sub3A_173, %lt3A_175 : vector<16xi32>
        %gather3A_177 = tpu.vector_load_idx %arg5[%sub3A_173] masked %lt3A_176 : memref<14336xf32, #tpu.memory_space<vmem>>[vector<16xi32>], vector<16xf32>, vector<16xi1>
        %jit3A_178 = arith.constant 0.000000e+00 : f32
        %broadcast_in_dim3A_179 = vector.broadcast %jit3A_178 : f32 to vector<16xf32>
        %select_n3A_180 = arith.select %lt3A_176, %gather3A_177, %broadcast_in_dim3A_179 : vector<16xi1>, vector<16xf32>
        %add3A_181 = arith.addf %scan3A_143, %select_n3A_180 : vector<16xf32>
        %add3A_182 = arith.constant 2 : i32
        %add3A_183 = arith.addi %add3A_149, %add3A_182 : i32
        %mul3A_184 = arith.constant 16 : i32
        %mul3A_185 = arith.muli %add3A_183, %mul3A_184 : i32
        %get3A_186 = arith.index_cast %mul3A_185 : i32 to index
        %get3A_187 = tpu.vector_load %arg6[%get3A_186] {strides = array<i32>} : memref<8192xi32, #tpu.memory_space<vmem>>, vector<16xi32>,
        %sub3A_188 = vector.broadcast %mul3A_29 : i32 to vector<16xi32>
        %sub3A_189 = arith.subi %get3A_187, %sub3A_188 : vector<16xi32>
        %lt3A_190 = arith.constant 14336 : i32
        %lt3A_191 = vector.broadcast %lt3A_190 : i32 to vector<16xi32>
        %lt3A_192 = arith.cmpi ult, %sub3A_189, %lt3A_191 : vector<16xi32>
        %gather3A_193 = tpu.vector_load_idx %arg5[%sub3A_189] masked %lt3A_192 : memref<14336xf32, #tpu.memory_space<vmem>>[vector<16xi32>], vector<16xf32>, vector<16xi1>
        %jit3A_194 = arith.constant 0.000000e+00 : f32
        %broadcast_in_dim3A_195 = vector.broadcast %jit3A_194 : f32 to vector<16xf32>
        %select_n3A_196 = arith.select %lt3A_192, %gather3A_193, %broadcast_in_dim3A_195 : vector<16xi1>, vector<16xf32>
        %add3A_197 = arith.addf %scan3A_144, %select_n3A_196 : vector<16xf32>
        %add3A_198 = arith.constant 3 : i32
        %add3A_199 = arith.addi %add3A_149, %add3A_198 : i32
        %mul3A_200 = arith.constant 16 : i32
        %mul3A_201 = arith.muli %add3A_199, %mul3A_200 : i32
        %get3A_202 = arith.index_cast %mul3A_201 : i32 to index
        %get3A_203 = tpu.vector_load %arg6[%get3A_202] {strides = array<i32>} : memref<8192xi32, #tpu.memory_space<vmem>>, vector<16xi32>,
        %sub3A_204 = vector.broadcast %mul3A_29 : i32 to vector<16xi32>
        %sub3A_205 = arith.subi %get3A_203, %sub3A_204 : vector<16xi32>
        %lt3A_206 = arith.constant 14336 : i32
        %lt3A_207 = vector.broadcast %lt3A_206 : i32 to vector<16xi32>
        %lt3A_208 = arith.cmpi ult, %sub3A_205, %lt3A_207 : vector<16xi32>
        %gather3A_209 = tpu.vector_load_idx %arg5[%sub3A_205] masked %lt3A_208 : memref<14336xf32, #tpu.memory_space<vmem>>[vector<16xi32>], vector<16xf32>, vector<16xi1>
        %jit3A_210 = arith.constant 0.000000e+00 : f32
        %broadcast_in_dim3A_211 = vector.broadcast %jit3A_210 : f32 to vector<16xf32>
        %select_n3A_212 = arith.select %lt3A_208, %gather3A_209, %broadcast_in_dim3A_211 : vector<16xi1>, vector<16xf32>
        %add3A_213 = arith.addf %scan3A_145, %select_n3A_212 : vector<16xf32>
        scf.yield %add3A_165, %add3A_181, %add3A_197, %add3A_213 : vector<16xf32>, vector<16xf32>, vector<16xf32>, vector<16xf32>
      }
      %scan3A_103 = arith.constant 119 : i32
      %add3A_104 = arith.addf %scan3A_102#0, %scan3A_102#1 : vector<16xf32>
      %add3A_105 = arith.addf %scan3A_102#2, %scan3A_102#3 : vector<16xf32>
      %add3A_106 = arith.addf %add3A_104, %add3A_105 : vector<16xf32>
      %ge3A = arith.constant 6 : i32
      %ge3A_107 = vector.broadcast %ge3A : i32 to vector<16xi32>
      %ge3A_108 = arith.cmpi sge, %iota3A, %ge3A_107 : vector<16xi32>
      %get3A_109 = arith.constant 544 : index
      %get3A_110 = tpu.vector_load %arg6[%get3A_109] {strides = array<i32>} : memref<8192xi32, #tpu.memory_space<vmem>>, vector<16xi32>,
      %sub3A_111 = vector.broadcast %mul3A_29 : i32 to vector<16xi32>
      %sub3A_112 = arith.subi %get3A_110, %sub3A_111 : vector<16xi32>
      %lt3A_113 = arith.constant 14336 : i32
      %lt3A_114 = vector.broadcast %lt3A_113 : i32 to vector<16xi32>
      %lt3A_115 = arith.cmpi ult, %sub3A_112, %lt3A_114 : vector<16xi32>
      %and3A_116 = arith.andi %lt3A_115, %ge3A_108 : vector<16xi1>
      %gather3A_117 = tpu.vector_load_idx %arg5[%sub3A_112] masked %and3A_116 : memref<14336xf32, #tpu.memory_space<vmem>>[vector<16xi32>], vector<16xf32>, vector<16xi1>
      %jit3A_118 = arith.constant 0.000000e+00 : f32
      %broadcast_in_dim3A_119 = vector.broadcast %jit3A_118 : f32 to vector<16xf32>
      %select_n3A_120 = arith.select %and3A_116, %gather3A_117, %broadcast_in_dim3A_119 : vector<16xi1>, vector<16xf32>
      %add3A_121 = arith.addf %add3A_106, %select_n3A_120 : vector<16xf32>
      %get3A_122 = arith.constant 560 : index
      %get3A_123 = tpu.vector_load %arg6[%get3A_122] {strides = array<i32>} : memref<8192xi32, #tpu.memory_space<vmem>>, vector<16xi32>,
      %sub3A_124 = vector.broadcast %mul3A_29 : i32 to vector<16xi32>
      %sub3A_125 = arith.subi %get3A_123, %sub3A_124 : vector<16xi32>
      %lt3A_126 = arith.constant 14336 : i32
      %lt3A_127 = vector.broadcast %lt3A_126 : i32 to vector<16xi32>
      %lt3A_128 = arith.cmpi ult, %sub3A_125, %lt3A_127 : vector<16xi32>
      %gather3A_129 = tpu.vector_load_idx %arg5[%sub3A_125] masked %lt3A_128 : memref<14336xf32, #tpu.memory_space<vmem>>[vector<16xi32>], vector<16xf32>, vector<16xi1>
      %jit3A_130 = arith.constant 0.000000e+00 : f32
      %broadcast_in_dim3A_131 = vector.broadcast %jit3A_130 : f32 to vector<16xf32>
      %select_n3A_132 = arith.select %lt3A_128, %gather3A_129, %broadcast_in_dim3A_131 : vector<16xi1>, vector<16xf32>
      %add3A_133 = arith.addf %add3A_121, %select_n3A_132 : vector<16xf32>
      %swap3A = arith.constant 0 : i32
      %swap3A_134 = arith.index_cast %swap3A : i32 to index
      %swap3A_135 = arith.constant 0 : index
      %swap3A_136 = tpu.vector_load %arg7[%swap3A_134, %swap3A_135] {strides = array<i32>} : memref<2x16xf32, #tpu.memory_space<vmem>>, vector<16xf32>,
      tpu.vector_store %arg7[%swap3A_134, %swap3A_135], %add3A_97 {strides = array<i32>} : memref<2x16xf32, #tpu.memory_space<vmem>>, vector<16xf32>,
      %swap3A_137 = arith.constant 1 : i32
      %swap3A_138 = arith.index_cast %swap3A_137 : i32 to index
      %swap3A_139 = arith.constant 0 : index
      %swap3A_140 = tpu.vector_load %arg7[%swap3A_138, %swap3A_139] {strides = array<i32>} : memref<2x16xf32, #tpu.memory_space<vmem>>, vector<16xf32>,
      tpu.vector_store %arg7[%swap3A_138, %swap3A_139], %add3A_133 {strides = array<i32>} : memref<2x16xf32, #tpu.memory_space<vmem>>, vector<16xf32>,
    } else {
    }
    %eq3A_42 = arith.constant 1 : i32
    %eq3A_43 = arith.cmpi eq, %select_n3A_28, %eq3A_42 : i32
    %convert_element_type3A_44 = arith.extui %eq3A_43 : i1 to i32
    %cond3A_45 = arith.constant 0 : i32
    %cond3A_46 = arith.cmpi ne, %convert_element_type3A_44, %cond3A_45 : i32
    scf.if %cond3A_46 {
      %scan3A = arith.constant 0 : i32
      %scan3A_52 = arith.constant 128 : i32
      %scan3A_53 = arith.addi %scan3A, %scan3A_52 : i32
      %scan3A_54 = arith.constant 1 : i32
      %scan3A_55:4 = scf.for %scan3A_67 = %scan3A to %scan3A_53 step %scan3A_54 iter_args(%scan3A_68 = %broadcast_in_dim3A_38, %scan3A_69 = %broadcast_in_dim3A_38, %scan3A_70 = %broadcast_in_dim3A_38, %scan3A_71 = %broadcast_in_dim3A_38) -> (vector<16xf32>, vector<16xf32>, vector<16xf32>, vector<16xf32>)  : i32 {
        %mul3A_72 = arith.constant 4 : i32
        %mul3A_73 = arith.muli %scan3A_67, %mul3A_72 : i32
        %add3A_74 = arith.constant 0 : i32
        %add3A_75 = arith.addi %mul3A_73, %add3A_74 : i32
        %mul3A_76 = arith.constant 16 : i32
        %mul3A_77 = arith.muli %add3A_75, %mul3A_76 : i32
        %get3A = arith.index_cast %mul3A_77 : i32 to index
        %get3A_78 = tpu.vector_load %arg6[%get3A] {strides = array<i32>} : memref<8192xi32, #tpu.memory_space<vmem>>, vector<16xi32>,
        %sub3A_79 = vector.broadcast %mul3A_29 : i32 to vector<16xi32>
        %sub3A_80 = arith.subi %get3A_78, %sub3A_79 : vector<16xi32>
        %lt3A_81 = arith.constant 14336 : i32
        %lt3A_82 = vector.broadcast %lt3A_81 : i32 to vector<16xi32>
        %lt3A_83 = arith.cmpi ult, %sub3A_80, %lt3A_82 : vector<16xi32>
        %gather3A = tpu.vector_load_idx %arg5[%sub3A_80] masked %lt3A_83 : memref<14336xf32, #tpu.memory_space<vmem>>[vector<16xi32>], vector<16xf32>, vector<16xi1>
        %jit3A_84 = arith.constant 0.000000e+00 : f32
        %broadcast_in_dim3A_85 = vector.broadcast %jit3A_84 : f32 to vector<16xf32>
        %select_n3A_86 = arith.select %lt3A_83, %gather3A, %broadcast_in_dim3A_85 : vector<16xi1>, vector<16xf32>
        %add3A_87 = arith.addf %scan3A_68, %select_n3A_86 : vector<16xf32>
        %add3A_88 = arith.constant 1 : i32
        %add3A_89 = arith.addi %mul3A_73, %add3A_88 : i32
        %mul3A_90 = arith.constant 16 : i32
        %mul3A_91 = arith.muli %add3A_89, %mul3A_90 : i32
        %get3A_92 = arith.index_cast %mul3A_91 : i32 to index
        %get3A_93 = tpu.vector_load %arg6[%get3A_92] {strides = array<i32>} : memref<8192xi32, #tpu.memory_space<vmem>>, vector<16xi32>,
        %sub3A_94 = vector.broadcast %mul3A_29 : i32 to vector<16xi32>
        %sub3A_95 = arith.subi %get3A_93, %sub3A_94 : vector<16xi32>
        %lt3A_96 = arith.constant 14336 : i32
        %lt3A_97 = vector.broadcast %lt3A_96 : i32 to vector<16xi32>
        %lt3A_98 = arith.cmpi ult, %sub3A_95, %lt3A_97 : vector<16xi32>
        %gather3A_99 = tpu.vector_load_idx %arg5[%sub3A_95] masked %lt3A_98 : memref<14336xf32, #tpu.memory_space<vmem>>[vector<16xi32>], vector<16xf32>, vector<16xi1>
        %jit3A_100 = arith.constant 0.000000e+00 : f32
        %broadcast_in_dim3A_101 = vector.broadcast %jit3A_100 : f32 to vector<16xf32>
        %select_n3A_102 = arith.select %lt3A_98, %gather3A_99, %broadcast_in_dim3A_101 : vector<16xi1>, vector<16xf32>
        %add3A_103 = arith.addf %scan3A_69, %select_n3A_102 : vector<16xf32>
        %add3A_104 = arith.constant 2 : i32
        %add3A_105 = arith.addi %mul3A_73, %add3A_104 : i32
        %mul3A_106 = arith.constant 16 : i32
        %mul3A_107 = arith.muli %add3A_105, %mul3A_106 : i32
        %get3A_108 = arith.index_cast %mul3A_107 : i32 to index
        %get3A_109 = tpu.vector_load %arg6[%get3A_108] {strides = array<i32>} : memref<8192xi32, #tpu.memory_space<vmem>>, vector<16xi32>,
        %sub3A_110 = vector.broadcast %mul3A_29 : i32 to vector<16xi32>
        %sub3A_111 = arith.subi %get3A_109, %sub3A_110 : vector<16xi32>
        %lt3A_112 = arith.constant 14336 : i32
        %lt3A_113 = vector.broadcast %lt3A_112 : i32 to vector<16xi32>
        %lt3A_114 = arith.cmpi ult, %sub3A_111, %lt3A_113 : vector<16xi32>
        %gather3A_115 = tpu.vector_load_idx %arg5[%sub3A_111] masked %lt3A_114 : memref<14336xf32, #tpu.memory_space<vmem>>[vector<16xi32>], vector<16xf32>, vector<16xi1>
        %jit3A_116 = arith.constant 0.000000e+00 : f32
        %broadcast_in_dim3A_117 = vector.broadcast %jit3A_116 : f32 to vector<16xf32>
        %select_n3A_118 = arith.select %lt3A_114, %gather3A_115, %broadcast_in_dim3A_117 : vector<16xi1>, vector<16xf32>
        %add3A_119 = arith.addf %scan3A_70, %select_n3A_118 : vector<16xf32>
        %add3A_120 = arith.constant 3 : i32
        %add3A_121 = arith.addi %mul3A_73, %add3A_120 : i32
        %mul3A_122 = arith.constant 16 : i32
        %mul3A_123 = arith.muli %add3A_121, %mul3A_122 : i32
        %get3A_124 = arith.index_cast %mul3A_123 : i32 to index
        %get3A_125 = tpu.vector_load %arg6[%get3A_124] {strides = array<i32>} : memref<8192xi32, #tpu.memory_space<vmem>>, vector<16xi32>,
        %sub3A_126 = vector.broadcast %mul3A_29 : i32 to vector<16xi32>
        %sub3A_127 = arith.subi %get3A_125, %sub3A_126 : vector<16xi32>
        %lt3A_128 = arith.constant 14336 : i32
        %lt3A_129 = vector.broadcast %lt3A_128 : i32 to vector<16xi32>
        %lt3A_130 = arith.cmpi ult, %sub3A_127, %lt3A_129 : vector<16xi32>
        %gather3A_131 = tpu.vector_load_idx %arg5[%sub3A_127] masked %lt3A_130 : memref<14336xf32, #tpu.memory_space<vmem>>[vector<16xi32>], vector<16xf32>, vector<16xi1>
        %jit3A_132 = arith.constant 0.000000e+00 : f32
        %broadcast_in_dim3A_133 = vector.broadcast %jit3A_132 : f32 to vector<16xf32>
        %select_n3A_134 = arith.select %lt3A_130, %gather3A_131, %broadcast_in_dim3A_133 : vector<16xi1>, vector<16xf32>
        %add3A_135 = arith.addf %scan3A_71, %select_n3A_134 : vector<16xf32>
        scf.yield %add3A_87, %add3A_103, %add3A_119, %add3A_135 : vector<16xf32>, vector<16xf32>, vector<16xf32>, vector<16xf32>
      }
      %scan3A_56 = arith.constant 128 : i32
      %swap3A = arith.constant 0 : i32
      %swap3A_57 = arith.index_cast %swap3A : i32 to index
      %swap3A_58 = arith.constant 0 : index
      %swap3A_59 = tpu.vector_load %arg7[%swap3A_57, %swap3A_58] {strides = array<i32>} : memref<2x16xf32, #tpu.memory_space<vmem>>, vector<16xf32>,
      tpu.vector_store %arg7[%swap3A_57, %swap3A_58], %broadcast_in_dim3A_38 {strides = array<i32>} : memref<2x16xf32, #tpu.memory_space<vmem>>, vector<16xf32>,
      %add3A_60 = arith.addf %scan3A_55#0, %scan3A_55#1 : vector<16xf32>
      %add3A_61 = arith.addf %scan3A_55#2, %scan3A_55#3 : vector<16xf32>
      %add3A_62 = arith.addf %add3A_60, %add3A_61 : vector<16xf32>
      %swap3A_63 = arith.constant 1 : i32
      %swap3A_64 = arith.index_cast %swap3A_63 : i32 to index
      %swap3A_65 = arith.constant 0 : index
      %swap3A_66 = tpu.vector_load %arg7[%swap3A_64, %swap3A_65] {strides = array<i32>} : memref<2x16xf32, #tpu.memory_space<vmem>>, vector<16xf32>,
      tpu.vector_store %arg7[%swap3A_64, %swap3A_65], %add3A_62 {strides = array<i32>} : memref<2x16xf32, #tpu.memory_space<vmem>>, vector<16xf32>,
    } else {
    }
    "tpu.region"() ({
      %run_scoped3A = tpu.sem_alloc : memref<!tpu.dma_semaphore, #tpu.memory_space<semaphore_mem>>
      %dma_start3A_52 = arith.constant 0 : i32
      %dma_start3A_53 = arith.constant 0 : i32
      %dma_start3A_54 = tpu.memref_slice %arg10[%arg1, %dma_start3A_52, %dma_start3A_53] : memref<16x2x16xf32, #tpu.memory_space<vmem_shared>> -> memref<1x2x16xf32, #tpu.memory_space<vmem_shared>>
      %dma_start3A_55 = tpu.memref_squeeze %dma_start3A_54 : memref<1x2x16xf32, #tpu.memory_space<vmem_shared>> -> memref<2x16xf32, #tpu.memory_space<vmem_shared>>
      %dma_start3A_56 = arith.constant 0 : i32
      %dma_start3A_57 = arith.constant 0 : i32
      %dma_start3A_58 = tpu.memref_slice %arg10[%arg1, %dma_start3A_56, %dma_start3A_57] : memref<16x2x16xf32, #tpu.memory_space<vmem_shared>> -> memref<1x2x16xf32, #tpu.memory_space<vmem_shared>>
      %dma_start3A_59 = tpu.memref_squeeze %dma_start3A_58 : memref<1x2x16xf32, #tpu.memory_space<vmem_shared>> -> memref<2x16xf32, #tpu.memory_space<vmem_shared>>
      tpu.enqueue_dma source(%arg7 : memref<2x16xf32, #tpu.memory_space<vmem>>) target(%dma_start3A_59 : memref<2x16xf32, #tpu.memory_space<vmem_shared>>) target_semaphore(%run_scoped3A : memref<!tpu.dma_semaphore, #tpu.memory_space<semaphore_mem>>)
      %dma_wait3A_60 = arith.constant 0 : i32
      %dma_wait3A_61 = arith.constant 0 : i32
      %dma_wait3A_62 = tpu.memref_slice %arg10[%arg1, %dma_wait3A_60, %dma_wait3A_61] : memref<16x2x16xf32, #tpu.memory_space<vmem_shared>> -> memref<1x2x16xf32, #tpu.memory_space<vmem_shared>>
      %dma_wait3A_63 = tpu.memref_squeeze %dma_wait3A_62 : memref<1x2x16xf32, #tpu.memory_space<vmem_shared>> -> memref<2x16xf32, #tpu.memory_space<vmem_shared>>
      %dma_wait3A_64 = arith.constant 0 : i32
      %dma_wait3A_65 = arith.constant 0 : i32
      %dma_wait3A_66 = tpu.memref_slice %arg10[%arg1, %dma_wait3A_64, %dma_wait3A_65] : memref<16x2x16xf32, #tpu.memory_space<vmem_shared>> -> memref<1x2x16xf32, #tpu.memory_space<vmem_shared>>
      %dma_wait3A_67 = tpu.memref_squeeze %dma_wait3A_66 : memref<1x2x16xf32, #tpu.memory_space<vmem_shared>> -> memref<2x16xf32, #tpu.memory_space<vmem_shared>>
      tpu.wait_dma2 semaphore(%run_scoped3A : memref<!tpu.dma_semaphore, #tpu.memory_space<semaphore_mem>>) src(%arg7 : memref<2x16xf32, #tpu.memory_space<vmem>>) dst(%dma_wait3A_67 : memref<2x16xf32, #tpu.memory_space<vmem_shared>>)
      tpu.yield
    }) : () -> ()
    %barrier3A = arith.constant 0 : index
    tpu.barrier barrier_id(%barrier3A)
    %eq3A_47 = arith.constant 15 : i32
    %eq3A_48 = arith.cmpi eq, %arg1, %eq3A_47 : i32
    %convert_element_type3A_49 = arith.extui %eq3A_48 : i1 to i32
    %cond3A_50 = arith.constant 0 : i32
    %cond3A_51 = arith.cmpi ne, %convert_element_type3A_49, %cond3A_50 : i32
    scf.if %cond3A_51 {
      "tpu.region"() ({
        %run_scoped3A = tpu.sem_alloc : memref<!tpu.dma_semaphore, #tpu.memory_space<semaphore_mem>>
        tpu.enqueue_dma source(%arg10 : memref<16x2x16xf32, #tpu.memory_space<vmem_shared>>) target(%arg8 : memref<16x2x16xf32, #tpu.memory_space<vmem>>) target_semaphore(%run_scoped3A : memref<!tpu.dma_semaphore, #tpu.memory_space<semaphore_mem>>)
        tpu.wait_dma2 semaphore(%run_scoped3A : memref<!tpu.dma_semaphore, #tpu.memory_space<semaphore_mem>>) src(%arg10 : memref<16x2x16xf32, #tpu.memory_space<vmem_shared>>) dst(%arg8 : memref<16x2x16xf32, #tpu.memory_space<vmem>>)
        tpu.yield
      }) : () -> ()
      %scan3A = arith.constant 0 : i32
      %scan3A_52 = arith.constant 16 : i32
      %scan3A_53 = arith.addi %scan3A, %scan3A_52 : i32
      %scan3A_54 = arith.constant 1 : i32
      %scan3A_55:2 = scf.for %scan3A_96 = %scan3A to %scan3A_53 step %scan3A_54 iter_args(%scan3A_97 = %broadcast_in_dim3A_38, %scan3A_98 = %broadcast_in_dim3A_38) -> (vector<16xf32>, vector<16xf32>)  : i32 {
        %get3A_99 = arith.constant 0 : i32
        %get3A_100 = arith.index_cast %scan3A_96 : i32 to index
        %get3A_101 = arith.index_cast %get3A_99 : i32 to index
        %get3A_102 = arith.constant 0 : index
        %get3A_103 = tpu.vector_load %arg8[%get3A_100, %get3A_101, %get3A_102] {strides = array<i32>} : memref<16x2x16xf32, #tpu.memory_space<vmem>>, vector<16xf32>,
        %add3A_104 = arith.addf %scan3A_97, %get3A_103 : vector<16xf32>
        %get3A_105 = arith.constant 1 : i32
        %get3A_106 = arith.index_cast %scan3A_96 : i32 to index
        %get3A_107 = arith.index_cast %get3A_105 : i32 to index
        %get3A_108 = arith.constant 0 : index
        %get3A_109 = tpu.vector_load %arg8[%get3A_106, %get3A_107, %get3A_108] {strides = array<i32>} : memref<16x2x16xf32, #tpu.memory_space<vmem>>, vector<16xf32>,
        %add3A_110 = arith.addf %scan3A_98, %get3A_109 : vector<16xf32>
        scf.yield %add3A_104, %add3A_110 : vector<16xf32>, vector<16xf32>
      }
      %scan3A_56 = arith.constant 16 : i32
      %reduce_sum3A = arith.constant true
      %reduce_sum3A_57 = vector.broadcast %reduce_sum3A : i1 to vector<16xi1>
      %reduce_sum3A_58 = tpu.scan <sum>, %scan3A_55#0 masked %reduce_sum3A_57 : vector<16xf32>, vector<16xi1> -> vector<16xf32>
      %reduce_sum3A_59 = vector.extract %reduce_sum3A_58[15] : f32 from vector<16xf32>
      %reduce_sum3A_60 = arith.constant true
      %reduce_sum3A_61 = vector.broadcast %reduce_sum3A_60 : i1 to vector<16xi1>
      %reduce_sum3A_62 = tpu.scan <sum>, %scan3A_55#1 masked %reduce_sum3A_61 : vector<16xf32>, vector<16xi1> -> vector<16xf32>
      %reduce_sum3A_63 = vector.extract %reduce_sum3A_62[15] : f32 from vector<16xf32>
      %get3A = arith.constant 14320 : index
      %get3A_64 = tpu.vector_load %arg5[%get3A] {strides = array<i32>} : memref<14336xf32, #tpu.memory_space<vmem>>, vector<16xf32>,
      %slice3A = vector.extract_strided_slice %get3A_64 {offsets = [0], sizes = [1], strides = [1]} : vector<16xf32> to vector<1xf32>
      %squeeze3A = vector.extract %slice3A[0] : f32 from vector<1xf32>
      %mul3A_65 = arith.constant 0.00181818183 : f32
      %mul3A_66 = arith.mulf %reduce_sum3A_59, %mul3A_65 : f32
      %add3A_67 = arith.addf %mul3A_66, %squeeze3A : f32
      %mul3A_68 = arith.constant 6.31552321E-5 : f32
      %mul3A_69 = arith.mulf %reduce_sum3A_63, %mul3A_68 : f32
      %add3A_70 = arith.addf %mul3A_69, %squeeze3A : f32
      %neg3A = arith.constant 0.000000e+00 : f32
      %neg3A_71 = arith.subf %neg3A, %add3A_67 : f32
      %broadcast_in_dim3A_72 = vector.broadcast %neg3A_71 : f32 to vector<16xf32>
      %exp3A = math.exp %broadcast_in_dim3A_72 : vector<16xf32>
      %add3A_73 = arith.constant 1.000000e+00 : f32
      %add3A_74 = vector.broadcast %add3A_73 : f32 to vector<16xf32>
      %add3A_75 = arith.addf %add3A_74, %exp3A : vector<16xf32>
      %div3A_76 = arith.constant 1.000000e+00 : f32
      %div3A_77 = vector.broadcast %div3A_76 : f32 to vector<16xf32>
      %div3A_78 = arith.divf %div3A_77, %add3A_75 : vector<16xf32>
      %neg3A_79 = arith.constant 0.000000e+00 : f32
      %neg3A_80 = arith.subf %neg3A_79, %add3A_70 : f32
      %broadcast_in_dim3A_81 = vector.broadcast %neg3A_80 : f32 to vector<16xf32>
      %exp3A_82 = math.exp %broadcast_in_dim3A_81 : vector<16xf32>
      %add3A_83 = arith.constant 1.000000e+00 : f32
      %add3A_84 = vector.broadcast %add3A_83 : f32 to vector<16xf32>
      %add3A_85 = arith.addf %add3A_84, %exp3A_82 : vector<16xf32>
      %div3A_86 = arith.constant 1.000000e+00 : f32
      %div3A_87 = vector.broadcast %div3A_86 : f32 to vector<16xf32>
      %div3A_88 = arith.divf %div3A_87, %add3A_85 : vector<16xf32>
      %add3A_89 = arith.addf %div3A_78, %div3A_88 : vector<16xf32>
      %mul3A_90 = arith.constant 5.000000e-01 : f32
      %mul3A_91 = vector.broadcast %mul3A_90 : f32 to vector<16xf32>
      %mul3A_92 = arith.mulf %mul3A_91, %add3A_89 : vector<16xf32>
      %swap3A = arith.constant 0 : index
      %swap3A_93 = tpu.vector_load %arg9[%swap3A] {strides = array<i32>} : memref<16xf32, #tpu.memory_space<vmem>>, vector<16xf32>,
      tpu.vector_store %arg9[%swap3A], %mul3A_92 {strides = array<i32>} : memref<16xf32, #tpu.memory_space<vmem>>, vector<16xf32>,
      %mul3A_94 = arith.constant 16 : i32
      %mul3A_95 = arith.muli %arg0, %mul3A_94 : i32
      "tpu.region"() ({
        %run_scoped3A = tpu.sem_alloc : memref<!tpu.dma_semaphore, #tpu.memory_space<semaphore_mem>>
        %dma_start3A_96 = tpu.memref_slice %arg4[%mul3A_95] : memref<32xf32, #tpu.memory_space<hbm>> -> memref<16xf32, #tpu.memory_space<hbm>>
        %dma_start3A_97 = tpu.memref_slice %arg4[%mul3A_95] : memref<32xf32, #tpu.memory_space<hbm>> -> memref<16xf32, #tpu.memory_space<hbm>>
        tpu.enqueue_dma source(%arg9 : memref<16xf32, #tpu.memory_space<vmem>>) target(%dma_start3A_97 : memref<16xf32, #tpu.memory_space<hbm>>) target_semaphore(%run_scoped3A : memref<!tpu.dma_semaphore, #tpu.memory_space<semaphore_mem>>)
        %dma_wait3A_98 = tpu.memref_slice %arg4[%mul3A_95] : memref<32xf32, #tpu.memory_space<hbm>> -> memref<16xf32, #tpu.memory_space<hbm>>
        %dma_wait3A_99 = tpu.memref_slice %arg4[%mul3A_95] : memref<32xf32, #tpu.memory_space<hbm>> -> memref<16xf32, #tpu.memory_space<hbm>>
        tpu.wait_dma2 semaphore(%run_scoped3A : memref<!tpu.dma_semaphore, #tpu.memory_space<semaphore_mem>>) src(%arg9 : memref<16xf32, #tpu.memory_space<vmem>>) dst(%dma_wait3A_99 : memref<16xf32, #tpu.memory_space<hbm>>)
        tpu.yield
      }) : () -> ()
    } else {
    }
    return
  }
}

module attributes {stable_mosaic.version = 14 : i64} {
  func.func @body(%arg0: i32, %arg1: memref<64x28672xf32, #tpu.memory_space<vmem>>, %arg2: memref<1x64xf32, #tpu.memory_space<vmem>>, %arg3: memref<1x1xf32, #tpu.memory_space<smem>>, %arg4: memref<1x28672xf32, #tpu.memory_space<vmem>>) attributes {dimension_semantics = [#tpu.dimension_semantics<arbitrary>], iteration_bounds = array<i64: 4>, scalar_prefetch = 0 : i64, scratch_operands = 0 : i64, tpu.core_type = #tpu.core_type<tc>, window_params = [{transform_indices = @transform_0, window_bounds = array<i64: 64, 28672>}, {pipeline_mode = #tpu.pipeline_mode<synchronous>, transform_indices = @transform_1, window_bounds = array<i64: 1, 64>}, {transform_indices = @transform_2, window_bounds = array<i64: 1, 1>}, {transform_indices = @transform_3, window_bounds = array<i64: 1, 28672>}]} {
    %get3A = arith.constant 0 : index
    %get3A_0 = arith.constant 0 : index
    %get3A_1 = vector.load %arg2[%get3A, %get3A_0] : memref<1x64xf32, #tpu.memory_space<vmem>>, vector<1x64xf32>
    %get3A_2 = arith.constant 0 : index
    %get3A_3 = arith.constant 0 : index
    %get3A_4 = vector.load %arg1[%get3A_2, %get3A_3] : memref<64x28672xf32, #tpu.memory_space<vmem>>, vector<64x28672xf32>
    %dot_general3A = arith.constant dense<0.000000e+00> : vector<1x28672xf32>
    %dot_general3A_5 = tpu.matmul %get3A_1, %get3A_4, %dot_general3A {dimension_numbers = #tpu.dot_dimension_numbers<[1], [0], [0], [1], [0, 0, 1, 1], [], []>, transpose_lhs_hint = false} : vector<1x64xf32>, vector<64x28672xf32>, vector<1x28672xf32> -> vector<1x28672xf32>
    %swap3A = arith.constant 0 : index
    %swap3A_6 = arith.constant 0 : index
    %swap3A_7 = vector.load %arg4[%swap3A, %swap3A_6] : memref<1x28672xf32, #tpu.memory_space<vmem>>, vector<1x28672xf32>
    tpu.vector_store %arg4[%swap3A, %swap3A_6], %dot_general3A_5 {strides = array<i32>} : memref<1x28672xf32, #tpu.memory_space<vmem>>, vector<1x28672xf32>,
    %eq3A = arith.constant 3 : i32
    %eq3A_8 = arith.cmpi eq, %arg0, %eq3A : i32
    %convert_element_type3A = arith.extui %eq3A_8 : i1 to i32
    %cond3A = arith.constant 0 : i32
    %cond3A_9 = arith.cmpi ne, %convert_element_type3A, %cond3A : i32
    scf.if %cond3A_9 {
      %get3A_10 = arith.constant 0 : index
      %get3A_11 = arith.constant 0 : index
      %get3A_12 = memref.load %arg3[%get3A_10, %get3A_11] : memref<1x1xf32, #tpu.memory_space<smem>>
      %broadcast_in_dim3A = vector.broadcast %get3A_12 : f32 to vector<16xf32>
      %swap3A_13 = arith.constant 0 : index
      %swap3A_14 = arith.constant 28656 : index
      %swap3A_15 = vector.load %arg4[%swap3A_13, %swap3A_14] : memref<1x28672xf32, #tpu.memory_space<vmem>>, vector<1x16xf32>
      %swap3A_16 = vector.shape_cast %swap3A_15 : vector<1x16xf32> to vector<16xf32>
      %swap3A_17 = vector.shape_cast %broadcast_in_dim3A : vector<16xf32> to vector<1x16xf32>
      tpu.vector_store %arg4[%swap3A_13, %swap3A_14], %swap3A_17 {strides = array<i32>} : memref<1x28672xf32, #tpu.memory_space<vmem>>, vector<1x16xf32>,
    } else {
    }
    return
  }
  func.func @transform_0(%arg0: i32) -> (i32, i32) {
    %c0_i32 = arith.constant 0 : i32
    %c0_i32_0 = arith.constant 0 : i32
    return %c0_i32, %arg0 : i32, i32
  }
  func.func @transform_1(%arg0: i32) -> (i32, i32) {
    %c0_i32 = arith.constant 0 : i32
    %c0_i32_0 = arith.constant 0 : i32
    %c0_i32_1 = arith.constant 0 : i32
    return %c0_i32, %c0_i32_0 : i32, i32
  }
  func.func @transform_2(%arg0: i32) -> (i32, i32) {
    %c0_i32 = arith.constant 0 : i32
    %c0_i32_0 = arith.constant 0 : i32
    %c0_i32_1 = arith.constant 0 : i32
    return %c0_i32, %c0_i32_0 : i32, i32
  }
  func.func @transform_3(%arg0: i32) -> (i32, i32) {
    %c0_i32 = arith.constant 0 : i32
    %c0_i32_0 = arith.constant 0 : i32
    return %c0_i32, %arg0 : i32, i32
  }
}

</mosaic_0001>

<sc_bundles>
// kernel: kernel.4.cloned.1.call-start
scs
__scs_entry_jumppad:
0x0: {  	(pc) =	sbr.rel $0x88, $3  }
0x1: {  	(tag) =	ssettag $0x0;
	lr =	simm.s32 $0x1  }
0x2: {  	[smem:$0x3F9D] =	sst lr;
	_ =	strace $0xD0000000  }
0x3: {  	_ = 	snop  }
0x4: {  	_ = 	snop  }
0x5: {  	_ = 	snop  }
0x6: {  	_ = 	snop  }
0x7: {  	_ = 	snop  }
__scs_overlays_trampoline_lowered:
0x8: {  	[smem:$0x3FAC] =	sst s0  }
0x9: {  	[smem:$0x3FAD] =	sst s1  }
0xa: {  	[smem:$0x3FAE] =	sst s2  }
0xb: {  	[smem:$0x3FAF] =	sst s3  }
0xc: {  	[smem:$0x3FB0] =	sst s4  }
0xd: {  	[smem:$0x3FB1] =	sst s5  }
0xe: {  	[smem:$0x3FB2] =	sst s6  }
0xf: {  	[smem:$0x3FB3] =	sst s7  }
0x10: {  	[smem:$0x3FB4] =	sst s8  }
0x11: {  	[smem:$0x3FB5] =	sst s9;
	s0 =	simm.s32 @!p0 $0x0  }
0x12: {  	s1 =	sld [smem:$0x3F9B];
	s0 =	simm.s32 @p0 $0x1  }
0x13: {  	[smem:$0x3FB6] =	sst s0;
	s0 =	simm.s32 @!p1 $0x0  }
0x14: {  	s2 =	sld [smem:$0x3F9A];
	s0 =	simm.s32 @p1 $0x1  }
0x15: {  	[smem:$0x3FB7] =	sst s0;
	s0 =	simm.s32 @!p2 $0x0  }
0x16: {  	s3 =	sld [smem:$0x3FDB];
	s0 =	simm.s32 @p2 $0x1  }
0x17: {  	s4 =	simm.s32 $0x1BF5;
	[smem:$0x3FB9] =	sst s0  }
0x18: {  	s0 =	sld [smem:$0x3F9C];
	_ =	swait.ge [sflag:s4], $0x0  }
0x19: {  	s7 =	sld [smem:$0x3F9D]  }
0x1a: {  	s8 =	sadd.s32 $0xFFFFE003, lr  }
0x1b: {  	s9 =	sadd.s32 $0xFFFFFEF7, lr;
	s5 =	simm.s32 $0xFFFFFFFF;
	p2 =	slt.u32 s8, $0xFFFFF086  }
0x1c: {  	p1 =	slt.u32 s9, $0xF7A;
	s5 =	simm.s32 @!p2 $0x0  }
0x1d: {  	s5 =	simm.s32 @p1 $0x1;
	p0 =	seq.s32 s7, s2  }
0x1e: {  	s7 =	smul.u32 @!p0 $0xF7A, s2;
	p2 =	seq.s32 @!p0 s5, $0x0  }
0x1f: {  	s9 =	smul.u32 $0xF7A, s1;
	s8 =	simm.s32 @!p0 $0x1BF5;
	p2 =	por !p2, p0  }
0x20: {  	[sflag:s8] =	ssyncset.s32 @!p0 $0xFFFFF086;
	s6 =	sadd.s32 @!p0 s3, s7;
	s7 =	simm.s32 @!p0 $0x108  }
0x21: {  	s3 =	sadd.s32 s3, s9;
	s6 =	sadd.s32 @!p0 $0x88, s6;
	s7 =	simm.s32 @p2 $0x1082  }
0x22: {  	[simem:s7], [sflag:s8] =	dma.local @!p0 [hbm:s6], $0xF7A  }
0x23: {  	s9 =	sor.u32 $0xD0000000, s2;
	s6 =	simm.s32 $0x108;
	_ =	swait.ge @!p0 [sflag:s8], $0x0  }
0x24: {  	s3 =	sadd.s32 $0x88, s3;
	s6 =	simm.s32 @!p1 $0x1082;
	[sflag:s4] =	ssyncset.s32 $0xFFFFF086  }
0x25: {  	[simem:s6], [sflag:s4] =	dma.local [hbm:s3], $0xF7A  }
0x26: {  	[smem:$0x3F9D] =	sst s1;
	(tag) =	ssettag s2;
	_ =	strace s9  }
0x27: {  	s1 =	sld [smem:$0x3FAD]  }
0x28: {  	s2 =	sld [smem:$0x3FAE]  }
0x29: {  	s4 =	sld [smem:$0x3FB0]  }
0x2a: {  	p0 =	seq.s32 s5, $0x0;
	s5 =	sld [smem:$0x3FB1]  }
0x2b: {  	s6 =	sld [smem:$0x3FB2]  }
0x2c: {  	s7 =	sld [smem:$0x3FB3]  }
0x2d: {  	s3 =	simm.s32 $0x108;
	s8 =	sld [smem:$0x3FB4]  }
0x2e: {  	s3 =	simm.s32 @!p0 $0x1082;
	s9 =	sld [smem:$0x3FB5]  }
0x2f: {  	lr =	sadd.s32 s0, s3;
	s0 =	sld [smem:$0x3FAC]  }
0x30: {  	s3 =	sld [smem:$0x3FAF]  }
0x31: {  	[smem:$0x3FB8] =	sst s10  }
0x32: {  	s10 =	sld [smem:$0x3FB6];
	_ =	sdelay $0x3  }
0x33: {  	p0 =	seq.s32 s10, $0x1;
	s10 =	sld [smem:$0x3FB8];
	_ =	sdelay $0x3  }
0x34: {  	[smem:$0x3FB8] =	sst s10  }
0x35: {  	s10 =	sld [smem:$0x3FB7];
	_ =	sdelay $0x3  }
0x36: {  	p1 =	seq.s32 s10, $0x1;
	s10 =	sld [smem:$0x3FB8];
	_ =	sdelay $0x3  }
0x37: {  	[smem:$0x3FB8] =	sst s10  }
0x38: {  	s10 =	sld [smem:$0x3FB9]  }
0x39: {  	_ = 	snop;
	(pc) =	sbr.ind lr, $3  }
0x3a: {  	_ = 	snop  }
0x3b: {  	_ = 	snop  }
0x3c: {  	p2 =	seq.s32 s10, $0x1;
	s10 =	sld [smem:$0x3FB8]  }
0x3d: {  	_ =	shalt  }
0x3e: {  	_ =	shalt  }
0x3f: {  	_ =	shalt  }
0x40: {  	_ =	shalt  }
0x41: {  	_ =	shalt  }
0x42: {  	_ =	shalt  }
0x43: {  	_ =	shalt  }
0x44: {  	_ =	shalt  }
0x45: {  	_ =	shalt  }
0x46: {  	_ =	shalt  }
0x47: {  	_ =	shalt  }
0x48: {  	_ =	shalt  }
0x49: {  	_ =	shalt  }
0x4a: {  	_ =	shalt  }
0x4b: {  	_ =	shalt  }
0x4c: {  	_ =	shalt  }
0x4d: {  	_ =	shalt  }
0x4e: {  	_ =	shalt  }
0x4f: {  	_ =	shalt  }
0x50: {  	_ =	shalt  }
0x51: {  	_ =	shalt  }
0x52: {  	_ =	shalt  }
0x53: {  	_ =	shalt  }
0x54: {  	_ =	shalt  }
0x55: {  	_ =	shalt  }
0x56: {  	_ =	shalt  }
0x57: {  	_ =	shalt  }
0x58: {  	_ =	shalt  }
0x59: {  	_ =	shalt  }
0x5a: {  	_ =	shalt  }
0x5b: {  	_ =	shalt  }
0x5c: {  	_ =	shalt  }
0x5d: {  	_ =	shalt  }
0x5e: {  	_ =	shalt  }
0x5f: {  	_ =	shalt  }
0x60: {  	_ =	shalt  }
0x61: {  	_ =	shalt  }
0x62: {  	_ =	shalt  }
0x63: {  	_ =	shalt  }
0x64: {  	_ =	shalt  }
0x65: {  	_ =	shalt  }
0x66: {  	_ =	shalt  }
0x67: {  	_ =	shalt  }
0x68: {  	_ =	shalt  }
0x69: {  	_ =	shalt  }
0x6a: {  	_ =	shalt  }
0x6b: {  	_ =	shalt  }
0x6c: {  	_ =	shalt  }
0x6d: {  	_ =	shalt  }
0x6e: {  	_ =	shalt  }
0x6f: {  	_ =	shalt  }
0x70: {  	_ =	shalt  }
0x71: {  	_ =	shalt  }
0x72: {  	_ =	shalt  }
0x73: {  	_ =	shalt  }
0x74: {  	_ =	shalt  }
0x75: {  	_ =	shalt  }
0x76: {  	_ =	shalt  }
0x77: {  	_ =	shalt  }
0x78: {  	_ =	shalt  }
0x79: {  	_ =	shalt  }
0x7a: {  	_ =	shalt  }
0x7b: {  	_ =	shalt  }
0x7c: {  	_ =	shalt  }
0x7d: {  	_ =	shalt  }
0x7e: {  	_ =	shalt  }
0x7f: {  	_ =	shalt  }
0x80: {  	_ =	shalt  }
0x81: {  	_ =	shalt  }
0x82: {  	_ =	shalt  }
0x83: {  	_ =	shalt  }
0x84: {  	_ =	shalt  }
0x85: {  	_ =	shalt  }
0x86: {  	_ =	shalt  }
0x87: {  	_ =	shalt  }
.Lfunc_end0:
.L_simem_size_0:
called_computation_lowered:
.L_overlay_start_0:
0x88: {  	s2 =	sld [smem:$0x3FD9]  }
0x89: {  	s3 =	sld [smem:$0x3FFE];
	_ =	sdelay $0x1  }
0x8a: {  	s1 =	srdreg.scid  }
0x8b: {  	s0 =	sand.u32 $0x1, s1  }
0x8c: {  	s17 =	sshll.u32 s0, $0xA;
	s2 =	sadd.s32 s3, s2  }
0x8d: {  	s2 =	sadd.s32 s2, s17  }
0x8e: {  	[smem:$0x3FC4] =	sst s2  }
0x8f: {  	_ = 	snop  }
0x90: {  	s2 =	sld [smem:$0x3FC9]  }
0x91: {  	s18 =	sld [smem:$0x3FD0];
	(tm) =	ssettm $0x1  }
0x92: {  	s4 =	sld [smem:$0x3FFB];
	_ =	sdelay $0x3  }
0x93: {  	_ =	strace s4  }
0x94: {  	s4 =	sld [smem:$0x3FFC];
	_ =	sdelay $0x3  }
0x95: {  	_ =	strace s4  }
0x96: {  	s4 =	sld [smem:$0x3FFD];
	_ =	sdelay $0x3  }
0x97: {  	_ =	strace s4  }
0x98: {  	_ =	strace $0x8FFFFFFF  }
0x99: {  	s19 =	sld [smem:$0x3FDB];
	_ =	sdelay $0x1  }
0x9a: {  	s5 =	simm.s32 $_scs_section_size  }
0x9b: {  	s6 =	simm.s32 $_size__tile_overlayer_lowered;
	s7 =	simm.s32 $_tile_overlayer_lowered  }
0x9c: {  	s22 =	simm.s32 $0x1BFF;
	s21 =	sshll.u32 s7, $0x1;
	s4 =	sadd.s32 s5, s19  }
0x9d: {  	s8 =	simm.s32 $0x0;
	s20 =	sshll.u32 s6, $0x1;
	s6 =	sadd.s32 s21, s4  }
0x9e: {  	[timem:s8], [sflag:s22] =	dma.local [hbm:s6], s20  }
0x9f: {  	_ =	swait.ge [sflag:s22], s20  }
0xa0: {  	s5 =	ssub.s32 $0x0, s20;
	[sflag:s22] =	ssyncset.done $0x0  }
0xa1: {  	[sflag:s22] =	ssyncadd.s32 s5;
	_ =	sdelay $0x1  }
0xa2: {  	s23 =	simm.s32 $0x1B8B  }
0xa3: {  	_ =	swait.ge [sflag:s23], $0x1  }
0xa4: {  	[sflag:s23] =	ssyncset.done $0x0  }
0xa5: {  	s25 =	simm.s32 $0x1B8E;
	s24 =	sld [smem:$0x3FFE];
	[sflag:s23] =	ssyncadd.s32 $0xFFFFFFFF  }
0xa6: {  	s26 =	simm.s32 $execute0_lowered;
	[smem:$0x3FD2] =	sst s25  }
0xa7: {  	s6 =	sshll.u32 s26, $0x1;
	_ =	strace $0x80000046;
	[dreg:$0x1] =	wrdreg $0xFFFFFFFF  }
0xa8: {  	s28 =	simm.s32 $_size_execute0_lowered;
	s4 =	sadd.s32 s4, s6;
	[dreg:$0x0] =	wrdreg $0x0  }
0xa9: {  	s6 =	sshll.u32 s28, $0x1;
	[dreg:$0x2] =	wrdreg s4  }
0xaa: {  	[dreg:$0x3] =	wrdreg s6  }
0xab: {  	[dreg:$0x4] =	wrdreg $0xC0  }
0xac: {  	_ =	task [dreg:s8], $0x5FFFF  }
0xad: {  	[dreg:$0x1] =	wrdreg $0xFFFFFFFF  }
0xae: {  	[dreg:$0x0] =	wrdreg $0x60  }
0xaf: {  	[dreg:$0x2] =	wrdreg s2  }
0xb0: {  	[dreg:$0x3] =	wrdreg s24  }
0xb1: {  	[dreg:$0x4] =	wrdreg s18  }
0xb2: {  	[dreg:$0x5] =	wrdreg $0x69800  }
0xb3: {  	[dreg:$0x6] =	wrdreg $0x9  }
0xb4: {  	_ =	task.clear_ibuf [dreg:s8], $0x7FFFF;
	_ =	strace $0x90000046  }
0xb5: {  	s29 =	simm.s32 $0x9;
	_ =	strace $0x80000048  }
0xb6: {  	_ =	swait.ge [sflag:s29], $0x1  }
0xb7: {  	[sflag:s29] =	ssyncadd.s32 $0xFFFFFFFF  }
0xb8: {  	_ =	strace $0x90000048  }
0xb9: {  	_ =	sfence  }
0xba: {  	s30 =	sld [smem:$0x0];
	_ =	sdelay $0x2  }
0xbb: {  	s31 =	sshll.u32 s1, $0xD;
	s1 =	sshrl.u32 s1, $0x2  }
0xbc: {  	s3 =	sand.u32 $0x4000, s31;
	s1 =	sadd.s32 s1, s30  }
0xbd: {  	s0 =	sor.u32 s3, s0;
	s1 =	sshll.u32 s1, $0x11  }
0xbe: {  	s0 =	sor.u32 s1, s0  }
0xbf: {  	s0 =	sadd.s32 $0x8F2B, s0  }
0xc0: {  	[sflag:s0] =	ssyncadd.remote.s32 $0x1  }
0xc1: {  	_ =	sfence.sel $0xFFFF  }
0xc2: {  	[dreg:$0x0] =	wrdreg $0xFFFFFFFF;
	(pc) =	sbr.abs _section_cstart, $3  }
0xc3: {  	[dreg:$0x1] =	wrdreg $0xFFFFFFFF  }
0xc4: {  	_ =	task.clear_ibuf [dreg:s8], $0x2FFFF;
	_ =	strace $0x9FFFFFFF  }
0xc5: {  	(tm) =	ssettm $0x7FFFFFFF  }
tec
execute0_lowered:
.L_overlay_start_1:
0x0: {  	(tag) =	ssettag $0x1  }
0x1: {  	s5 =	rddreg [dreg:$0x0]  }
0x2: {  	s4 =	rddreg [dreg:$0x1]  }
0x3: {  	s7 =	rddreg [dreg:$0x2]  }
0x4: {  	s2 =	rddreg [dreg:$0x3]  }
0x5: {  	s0 =	rddreg [dreg:$0x4];
	s1 =	stileid.u32  }
0x6: {  	s3 =	simm.s32 $0x0;
	s8 =	srdreg.scid;
	s11 =	simm.s32 $0x2  }
0x7: {  	s13 =	simm.s32 $0x3;
	s14 =	simm.s32 $0x5900;
	s15 =	simm.s32 $0x6900  }
0x8: {  	s6 =	sshrl.u32 s1, $0x1;
	[smem:$0x7FF] =	sst s3;
	s8 =	sand.u32 $0x1, s8  }
0x9: {  	s16 =	sand.u32 $0x1, s1;
	s31 =	sshll.u32 s1, $0x8;
	p1 =	sne.s32 s1, $0xF  }
0xa: {  	s12 =	smul.u32 $0x3800, s6;
	_ =	strace $0x80000047;
	s28 =	ssub.s32 $0x2, s8  }
0xb: {  	s30 =	sshll.u32 s16, $0xA;
	p0 =	seq.s32 s16, $0x1;
	s6 =	sadd.s32 s31, s2  }
.Ltmp0:
0xc: {  	s8 =	sshll.u32 s8, $0x1;
	p2 =	seq.s32 s16, $0x0;
	(pc) =	sbr.rel .LBB2_1-.Ltmp0, $4  }
0xd: {  	s16 =	simm.s32 $0x0;
	s10 =	sshrl.u32 s28, $0x1;
	s5 =	sadd.s32 s5, s30  }
0xe: {  	s7 =	sadd.s32 s7, s8;
	s9 =	sshrl.u32 s12, $0x3;
	s29 =	ssub.s32 s28, s10  }
0xf: {  	s10 =	simm.s32 $0x1;
	v0 =	vmov s12;
	s12 =	simm.s32 $0x5800;
	s4 =	sadd.s32 s9, s4  }
0x10: {  	v1 =	vimm.f32 $0.0e+00;
	vm0 =	vmmov $0x3f;
	vm1 =	vcmask $0x3F18;
	s8 =	smax.u32 s29, $0x1;
	s9 =	simm.s32 $0x3800;
	s4 =	sadd.s32 $0x800, s4  }
.LBB2_12:
0x11: {  	s16 =	sadd.s32 $0x1, s16  }
0x12: {  	p3 =	sne.s32 s16, s8  }
.Ltmp1:
0x13: {  	_ = 	snop;
	(pc) =	sbr.rel @!p3 .LBB2_13-.Ltmp1, $1  }
0x14: {  	_ =	sdelay $0x3  }
.LBB2_1:
0x15: {  	[tilespmem:s3], [sflag:$0x1] =	stream.linear.gather [hbm4b:s4+s3], $0x3800, $0x38;
	[tilespmem:$0x69A0] =	vst v63  }
0x16: {  	_ = 	snop  }
0x17: {  	[tilespmem:s9], [sflag:$0x2] =	stream.linear.gather [hbm4b:s5+s3], $0x2000, $0x38;
	[tilespmem:$0x69A0] =	vst v63  }
0x18: {  	_ =	swait.ge [sflag:s10], $0x3800  }
.Ltmp2:
0x19: {  	[sflag:s10] =	ssyncset.done $0x0;
	(pc) =	sbr.rel @p0 .LBB2_7-.Ltmp2, $4  }
0x1a: {  	[sflag:s10] =	ssyncadd.s32 $0xFFFFC800  }
0x1b: {  	_ =	swait.ge [sflag:s11], $0x2000  }
0x1c: {  	[sflag:s11] =	ssyncset.done $0x0  }
0x1d: {  	[sflag:s11] =	ssyncadd.s32 $0xFFFFE000  }
0x1e: {  	s17 =	simm.s32 $0x0  }
0x1f: {  	v2 =	vld [tilespmem:s17+$0x3830]  }
0x20: {  	v4 =	vld [tilespmem:s17+$0x3810]  }
0x21: {  	v6 =	vld [tilespmem:s17+$0x3820];
	_ =	sdelay $0x2  }
0x22: {  	v3 =	vld [tilespmem:s17+$0x3800]  }
0x23: {  	s30 =	simm.s32 $0x40;
	v5 =	vsub.s32 v2, v0;
	v2 =	vand.u32 $0x7F, v2  }
0x24: {  	v12 =	vld [tilespmem:s30+$0x3800];
	v7 =	vsub.s32 v4, v0;
	v11 =	vsub.s32 v6, v0;
	v4 =	vand.u32 $0x7F, v4  }
0x25: {  	vm2 =	vlt.u32 v5, $0x3800;
	v5 =	vand.u32 $0xFFFFFF80, v5;
	v10 =	vand.u32 $0xFFFFFF80, v7  }
0x26: {  	v8 =	vld [tilespmem:s30+$0x3830];
	v13 =	vand.u32 $0xFFFFFF80, v11;
	vm4 =	vlt.u32 v7, $0x3800;
	v2 =	vor.u32 v2, v5  }
0x27: {  	vm6 =	vlt.u32 v11, $0x3800;
	v5 =	vsub.s32 v3, v0;
	v3 =	vand.u32 $0x7F, v3  }
0x28: {  	v7 =	vld [tilespmem:s30+$0x3820];
	v4 =	vor.u32 v4, v10;
	v9 =	vand.u32 $0xFFFFFF80, v5;
	vm3 =	vlt.u32 v5, $0x3800  }
0x29: {  	v10 =	vsub.s32 v12, v0;
	v5 =	vand.u32 $0x7F, v6;
	v6 =	vld [tilespmem:s30+$0x3810];
	v3 =	vor.u32 v3, v9  }
0x2a: {  	v11 =	vand.u32 $0x7F, v12;
	vm5 =	vmmov vm2;
	vm9 =	vlt.u32 v10, $0x3800  }
0x2b: {  	s31 =	simm.s32 $0x80;
	v5 =	vor.u32 v5, v13;
	vm7 =	vmmov vm3;
	v9 =	vsub.s32 v8, v0;
	v2 =	vld.idx.msk [tilespmem:v2+s3+$0x0], vm2  }
0x2c: {  	v15 =	vld [tilespmem:s31+$0x3830];
	v8 =	vand.u32 $0x7F, v8;
	vm8 =	vlt.u32 v9, $0x3800;
	v9 =	vand.u32 $0xFFFFFF80, v9  }
0x2d: {  	v16 =	vld [tilespmem:s31+$0x3800];
	v8 =	vor.u32 v8, v9;
	v9 =	vand.u32 $0xFFFFFF80, v10;
	v14 =	vsub.s32 v7, v0  }
0x2e: {  	v7 =	vand.u32 $0x7F, v7;
	vm2 =	vmmov vm4;
	v12 =	vsub.s32 v6, v0;
	v3 =	vld.idx.msk [tilespmem:v3+s3+$0x0], vm3  }
0x2f: {  	v4 =	vld.idx.msk [tilespmem:v4+s3+$0x0], vm4;
	v9 =	vor.u32 v11, v9;
	vm4 =	vlt.u32 v14, $0x3800;
	v13 =	vand.u32 $0xFFFFFF80, v12  }
0x30: {  	v5 =	vld.idx.msk [tilespmem:v5+s3+$0x0], vm6;
	vm10 =	vlt.u32 v12, $0x3800;
	vm3 =	vmmov vm9;
	v2 =	vnsel vm5, $0x0, v2  }
0x31: {  	v11 =	vld [tilespmem:s31+$0x3810];
	vm5 =	vmmov vm6;
	vm6 =	vmmov vm8;
	v19 =	vadd.f32 v2, v1  }
0x32: {  	v12 =	vld [tilespmem:s31+$0x3820];
	v2 =	vand.u32 $0x7F, v6;
	v6 =	vand.u32 $0xFFFFFF80, v14;
	v14 =	vand.u32 $0x7F, v16  }
0x33: {  	v18 =	vld.idx.msk [tilespmem:v8+s3+$0x0], vm8;
	v17 =	vor.u32 v2, v13;
	v2 =	vnsel vm7, $0x0, v3;
	v6 =	vor.u32 v7, v6  }
0x34: {  	v3 =	vnsel vm2, $0x0, v4;
	vm2 =	vmmov vm10;
	v4 =	vsub.s32 v15, v0  }
0x35: {  	v5 =	vnsel vm5, $0x0, v5;
	v7 =	vand.u32 $0x7F, v15;
	v13 =	vsub.s32 v16, v0  }
0x36: {  	v15 =	vsub.s32 v11, v0;
	v2 =	vadd.f32 v2, v1;
	v3 =	vadd.f32 v3, v1  }
0x37: {  	v8 =	vld.idx.msk [tilespmem:v9+s3+$0x0], vm9;
	vm5 =	vlt.u32 v4, $0x3800;
	v4 =	vand.u32 $0xFFFFFF80, v4;
	v16 =	vand.u32 $0xFFFFFF80, v13  }
0x38: {  	v10 =	vor.u32 v7, v4;
	v4 =	vnsel vm6, $0x0, v18;
	v18 =	vsub.s32 v12, v0;
	v7 =	vld.idx.msk [tilespmem:v17+s3+$0x0], vm10  }
0x39: {  	s18 =	simm.s32 $0xC0;
	s17 =	simm.s32 $0x400;
	v4 =	vadd.f32 v4, v19;
	v17 =	vand.u32 $0xFFFFFF80, v15;
	v9 =	vld.idx.msk [tilespmem:v6+s3+$0x0], vm4;
	v6 =	vimm.f32 $0.0e+00  }
.LBB2_3:
0x3a: {  	v11 =	vand.u32 $0x7F, v11;
	v20 =	vand.u32 $0xFFFFFF80, v18  }
0x3b: {  	p3 =	sne.s32 s17, $0x700;
	v19 =	vld [tilespmem:s18+$0x3830];
	v12 =	vand.u32 $0x7F, v12;
	vm7 =	vmmov vm4;
	vm6 =	vmmov vm5  }
0x3c: {  	vm8 =	vlt.u32 v13, $0x3800;
	v16 =	vor.u32 v14, v16;
	vm9 =	vlt.u32 v15, $0x3800;
	v21 =	vld [tilespmem:s18+$0x3800]  }
0x3d: {  	vm4 =	vlt.u32 v18, $0x3800;
	v17 =	vor.u32 v11, v17;
	v20 =	vor.u32 v12, v20;
	v18 =	vld.idx.msk [tilespmem:v10+s3+$0x0], vm5  }
0x3e: {  	v6 =	vadd.f32 v5, v6;
	v8 =	vnsel vm3, $0x0, v8;
	vm3 =	vmmov vm8;
	v11 =	vld [tilespmem:s18+$0x3810]  }
0x3f: {  	v2 =	vadd.f32 v8, v2;
	v5 =	vnsel vm2, $0x0, v7;
	vm2 =	vmmov vm9;
	v12 =	vld [tilespmem:s18+$0x3820]  }
.Ltmp3:
0x40: {  	v3 =	vadd.f32 v5, v3;
	v5 =	vnsel vm7, $0x0, v9;
	v7 =	vsub.s32 v19, v0;
	(pc) =	sbr.rel @p3 .LBB2_3-.Ltmp3, $4  }
0x41: {  	v8 =	vand.u32 $0x7F, v19;
	vm5 =	vlt.u32 v7, $0x3800;
	v7 =	vand.u32 $0xFFFFFF80, v7  }
0x42: {  	v13 =	vsub.s32 v21, v0;
	v14 =	vand.u32 $0x7F, v21;
	v10 =	vor.u32 v8, v7;
	v8 =	vld.idx.msk [tilespmem:v16+s3+$0x0], vm8  }
0x43: {  	v16 =	vand.u32 $0xFFFFFF80, v13;
	v19 =	vnsel vm6, $0x0, v18;
	v15 =	vsub.s32 v11, v0;
	v7 =	vld.idx.msk [tilespmem:v17+s3+$0x0], vm9  }
0x44: {  	s18 =	sshra.s32 s17, $0x2;
	s17 =	sadd.s32 $0x100, s17;
	v4 =	vadd.f32 v19, v4;
	v17 =	vand.u32 $0xFFFFFF80, v15;
	v18 =	vsub.s32 v12, v0;
	v9 =	vld.idx.msk [tilespmem:v20+s3+$0x0], vm4  }
0x45: {  	v19 =	vld [tilespmem:s18+$0x3830]  }
0x46: {  	v20 =	vld [tilespmem:s18+$0x3800]  }
0x47: {  	vm9 =	vlt.u32 v13, $0x3800;
	v13 =	vor.u32 v14, v16;
	v14 =	vld [tilespmem:s18+$0x3820];
	_ =	sdelay $0x1  }
0x48: {  	v11 =	vand.u32 $0x7F, v11;
	v22 =	vand.u32 $0xFFFFFF80, v18;
	v12 =	vand.u32 $0x7F, v12  }
0x49: {  	vm8 =	vlt.u32 v15, $0x3800;
	vm6 =	vlt.u32 v18, $0x3800;
	v11 =	vor.u32 v11, v17  }
0x4a: {  	v21 =	vld [tilespmem:s18+$0x3810];
	v12 =	vor.u32 v12, v22;
	v15 =	vsub.s32 v19, v0;
	v16 =	vand.u32 $0x7F, v19  }
0x4b: {  	v17 =	vsub.s32 v20, v0;
	v18 =	vand.u32 $0x7F, v20;
	v22 =	vsub.s32 v14, v0  }
0x4c: {  	v14 =	vand.u32 $0x7F, v14;
	vm7 =	vlt.u32 v15, $0x3800;
	v15 =	vand.u32 $0xFFFFFF80, v15  }
0x4d: {  	vm11 =	vlt.u32 v17, $0x3800;
	v15 =	vor.u32 v16, v15;
	v16 =	vand.u32 $0xFFFFFF80, v17  }
0x4e: {  	v10 =	vld.idx.msk [tilespmem:v10+s3+$0x0], vm5;
	vm10 =	vlt.u32 v22, $0x3800;
	v17 =	vand.u32 $0xFFFFFF80, v22;
	v16 =	vor.u32 v18, v16  }
0x4f: {  	vm4 =	vmmov vm4;
	v19 =	vsub.s32 v21, v0;
	v13 =	vld.idx.msk [tilespmem:v13+s3+$0x0], vm9;
	v14 =	vor.u32 v14, v17  }
0x50: {  	v21 =	vand.u32 $0x7F, v21;
	v20 =	vand.u32 $0xFFFFFF80, v19;
	vm12 =	vlt.u32 v19, $0x3800;
	v11 =	vld.idx.msk [tilespmem:v11+s3+$0x0], vm8  }
0x51: {  	vm5 =	vmmov vm5;
	v8 =	vnsel vm3, $0x0, v8;
	v12 =	vld.idx.msk [tilespmem:v12+s3+$0x0], vm6;
	v18 =	vor.u32 v21, v20  }
0x52: {  	v5 =	vadd.f32 v5, v6;
	v2 =	vadd.f32 v8, v2;
	v7 =	vnsel vm2, $0x0, v7;
	v6 =	vld.idx.msk [tilespmem:v15+s3+$0x0], vm7  }
0x53: {  	v3 =	vadd.f32 v7, v3;
	v7 =	vnsel vm4, $0x0, v9;
	v9 =	vnsel vm5, $0x0, v10;
	v8 =	vld.idx.msk [tilespmem:v16+s3+$0x0], vm11  }
0x54: {  	s17 =	simm.s32 $0x0;
	vm3 =	vmmov vm9;
	v4 =	vadd.f32 v9, v4;
	v9 =	vld.idx.msk [tilespmem:v14+s3+$0x0], vm10  }
0x55: {  	vm2 =	vmmov vm8;
	vm4 =	vmmov vm6;
	v5 =	vadd.f32 v7, v5;
	v14 =	vld [tilespmem:s17+$0x3A50]  }
0x56: {  	vm5 =	vmmov vm7;
	v13 =	vnsel vm3, $0x0, v13;
	vm3 =	vmmov vm11;
	v10 =	vld.idx.msk [tilespmem:v18+s3+$0x0], vm12  }
0x57: {  	v7 =	vld [tilespmem:$0x3A00];
	v13 =	vadd.f32 v13, v2;
	v2 =	vnsel vm2, $0x0, v11;
	vm2 =	vmmov vm12  }
0x58: {  	v11 =	vadd.f32 v2, v3;
	v3 =	vnsel vm4, $0x0, v12;
	v2 =	vnsel vm5, $0x0, v6  }
0x59: {  	vm4 =	vmmov vm10;
	v5 =	vadd.f32 v3, v5;
	v6 =	vld [tilespmem:$0x3A10];
	v2 =	vadd.f32 v2, v4  }
0x5a: {  	v4 =	vnsel vm3, $0x0, v8;
	v8 =	vld [tilespmem:$0x3A20];
	v9 =	vnsel vm4, $0x0, v9;
	v15 =	vsub.s32 v14, v0  }
0x5b: {  	v14 =	vand.u32 $0x7F, v14;
	v3 =	vadd.f32 v4, v13;
	v4 =	vnsel vm2, $0x0, v10  }
0x5c: {  	v10 =	vsub.s32 v7, v0;
	v5 =	vadd.f32 v9, v5;
	v4 =	vadd.f32 v4, v11;
	v11 =	vld [tilespmem:s17+$0x3A70]  }
0x5d: {  	v7 =	vand.u32 $0x7F, v7;
	v9 =	vand.u32 $0xFFFFFF80, v10;
	vm2 =	vlt.u32 v10, $0x3800  }
0x5e: {  	v7 =	vor.u32 v7, v9;
	v9 =	vsub.s32 v6, v0;
	v6 =	vand.u32 $0x7F, v6  }
0x5f: {  	v12 =	vld [tilespmem:s17+$0x3A40];
	v10 =	vand.u32 $0xFFFFFF80, v9;
	v13 =	vsub.s32 v8, v0;
	vm3 =	vlt.u32 v9, $0x3800  }
0x60: {  	v9 =	vor.u32 v6, v10;
	vm5 =	vlt.u32 v13, $0x3800;
	v6 =	vand.u32 $0xFFFFFF80, v13;
	v13 =	vld [tilespmem:s17+$0x3A60]  }
0x61: {  	v18 =	vand.u32 $0xFFFFFF80, v15;
	v8 =	vand.u32 $0x7F, v8;
	v10 =	vsub.s32 v11, v0  }
0x62: {  	s29 =	simm.s32 $0x40;
	v11 =	vand.u32 $0x7F, v11;
	vm6 =	vlt.u32 v10, $0x3800;
	v10 =	vand.u32 $0xFFFFFF80, v10  }
0x63: {  	v20 =	vld [tilespmem:s29+$0x3A40];
	vm9 =	vlt.u32 v15, $0x3800;
	v6 =	vor.u32 v8, v6;
	v8 =	vor.u32 v11, v10  }
0x64: {  	v16 =	vld [tilespmem:s29+$0x3A70];
	v14 =	vor.u32 v14, v18;
	vm7 =	vmmov vm9;
	v11 =	vsub.s32 v12, v0  }
0x65: {  	v12 =	vand.u32 $0x7F, v12;
	v17 =	vand.u32 $0xFFFFFF80, v11;
	v19 =	vsub.s32 v13, v0  }
0x66: {  	v15 =	vld [tilespmem:s29+$0x3A50];
	vm8 =	vlt.u32 v11, $0x3800;
	v13 =	vand.u32 $0x7F, v13;
	v11 =	vand.u32 $0xFFFFFF80, v19  }
0x67: {  	v12 =	vor.u32 v12, v17;
	vm10 =	vlt.u32 v19, $0x3800;
	v11 =	vor.u32 v13, v11;
	v13 =	vld [tilespmem:s29+$0x3A60]  }
0x68: {  	v18 =	vsub.s32 v20, v0;
	vm4 =	vmand vm5, vm0;
	v10 =	vimm.f32 $0.0e+00;
	v8 =	vld.idx.msk [tilespmem:v8+s3+$0x0], vm6  }
0x69: {  	s31 =	simm.s32 $0x80;
	vm11 =	vmmov vm6;
	v17 =	vsub.s32 v16, v0;
	v16 =	vand.u32 $0x7F, v16  }
0x6a: {  	v24 =	vld [tilespmem:s31+$0x3A40];
	vm12 =	vlt.u32 v17, $0x3800;
	v17 =	vand.u32 $0xFFFFFF80, v17;
	v19 =	vand.u32 $0x7F, v20  }
0x6b: {  	v14 =	vld.idx.msk [tilespmem:v14+s3+$0x0], vm9;
	v20 =	vand.u32 $0xFFFFFF80, v18;
	v16 =	vor.u32 v16, v17;
	v17 =	vsub.s32 v15, v0  }
0x6c: {  	vm9 =	vmmov vm10;
	vm6 =	vmmov vm8;
	v21 =	vand.u32 $0xFFFFFF80, v17;
	v12 =	vld.idx.msk [tilespmem:v12+s3+$0x0], vm8  }
0x6d: {  	vm13 =	vlt.u32 v17, $0x3800;
	v22 =	vsub.s32 v13, v0;
	v23 =	vld.idx.msk [tilespmem:v11+s3+$0x0], vm10;
	v8 =	vnsel vm11, $0x0, v8  }
0x6e: {  	s30 =	simm.s32 $0x0;
	v13 =	vand.u32 $0x7F, v13;
	v27 =	vadd.f32 v8, v10;
	v8 =	vand.u32 $0x7F, v15;
	v15 =	vld [tilespmem:s31+$0x3A70]  }
0x6f: {  	v7 =	vld.idx.msk [tilespmem:v7+s30+$0x0], vm2;
	vm10 =	vmmov vm12;
	v11 =	vand.u32 $0xFFFFFF80, v22;
	vm11 =	vlt.u32 v18, $0x3800  }
0x70: {  	v25 =	vld.idx.msk [tilespmem:v16+s3+$0x0], vm12;
	v18 =	vor.u32 v19, v20;
	vm8 =	vlt.u32 v22, $0x3800;
	v22 =	vand.u32 $0x7F, v24  }
0x71: {  	v16 =	vld [tilespmem:s31+$0x3A50];
	v13 =	vor.u32 v13, v11;
	v20 =	vor.u32 v8, v21;
	v8 =	vnsel vm6, $0x0, v12  }
0x72: {  	v17 =	vld [tilespmem:s31+$0x3A60];
	vm6 =	vmmov vm11;
	v12 =	vnsel vm7, $0x0, v14;
	vm7 =	vmmov vm13  }
0x73: {  	v11 =	vadd.f32 v8, v10;
	v8 =	vld.idx.msk [tilespmem:v9+s30+$0x0], vm3;
	v14 =	vnsel vm9, $0x0, v23;
	v19 =	vsub.s32 v15, v0  }
0x74: {  	v9 =	vld.idx.msk [tilespmem:v6+s30+$0x0], vm4;
	v15 =	vand.u32 $0x7F, v15;
	vm9 =	vlt.u32 v19, $0x3800;
	v19 =	vand.u32 $0xFFFFFF80, v19  }
0x75: {  	v21 =	vsub.s32 v24, v0;
	v12 =	vadd.f32 v12, v10;
	v15 =	vor.u32 v15, v19;
	v19 =	vld.idx.msk [tilespmem:v18+s3+$0x0], vm11  }
0x76: {  	v24 =	vand.u32 $0xFFFFFF80, v21;
	v23 =	vsub.s32 v16, v0;
	v28 =	vnsel vm10, $0x0, v25;
	v18 =	vld.idx.msk [tilespmem:v20+s3+$0x0], vm13  }
0x77: {  	s18 =	simm.s32 $0xC0;
	s17 =	simm.s32 $0x400;
	v25 =	vsub.s32 v17, v0;
	v26 =	vand.u32 $0xFFFFFF80, v23;
	v20 =	vld.idx.msk [tilespmem:v13+s3+$0x0], vm8;
	v13 =	vadd.f32 v28, v27  }
.LBB2_5:
0x78: {  	v16 =	vand.u32 $0x7F, v16;
	v28 =	vand.u32 $0xFFFFFF80, v25  }
0x79: {  	p3 =	sne.s32 s17, $0x7600;
	v27 =	vld [tilespmem:s18+$0x3A70];
	v17 =	vand.u32 $0x7F, v17;
	vm11 =	vmmov vm8;
	vm10 =	vmmov vm9  }
0x7a: {  	vm12 =	vlt.u32 v21, $0x3800;
	v24 =	vor.u32 v22, v24;
	vm13 =	vlt.u32 v23, $0x3800;
	v29 =	vld [tilespmem:s18+$0x3A40]  }
0x7b: {  	vm8 =	vlt.u32 v25, $0x3800;
	v26 =	vor.u32 v16, v26;
	v28 =	vor.u32 v17, v28;
	v25 =	vld.idx.msk [tilespmem:v15+s3+$0x0], vm9  }
0x7c: {  	v10 =	vadd.f32 v14, v10;
	v15 =	vnsel vm6, $0x0, v19;
	vm6 =	vmmov vm12;
	v16 =	vld [tilespmem:s18+$0x3A50]  }
0x7d: {  	v11 =	vadd.f32 v15, v11;
	v14 =	vnsel vm7, $0x0, v18;
	vm7 =	vmmov vm13;
	v17 =	vld [tilespmem:s18+$0x3A60]  }
.Ltmp4:
0x7e: {  	v12 =	vadd.f32 v14, v12;
	v14 =	vnsel vm11, $0x0, v20;
	v15 =	vsub.s32 v27, v0;
	(pc) =	sbr.rel @p3 .LBB2_5-.Ltmp4, $4  }
0x7f: {  	v18 =	vand.u32 $0x7F, v27;
	vm9 =	vlt.u32 v15, $0x3800;
	v15 =	vand.u32 $0xFFFFFF80, v15  }
0x80: {  	v21 =	vsub.s32 v29, v0;
	v22 =	vand.u32 $0x7F, v29;
	v15 =	vor.u32 v18, v15;
	v19 =	vld.idx.msk [tilespmem:v24+s3+$0x0], vm12  }
0x81: {  	v24 =	vand.u32 $0xFFFFFF80, v21;
	v27 =	vnsel vm10, $0x0, v25;
	v23 =	vsub.s32 v16, v0;
	v18 =	vld.idx.msk [tilespmem:v26+s3+$0x0], vm13  }
0x82: {  	s18 =	sshra.s32 s17, $0x2;
	s17 =	sadd.s32 $0x100, s17;
	v13 =	vadd.f32 v27, v13;
	v26 =	vand.u32 $0xFFFFFF80, v23;
	v25 =	vsub.s32 v17, v0;
	v20 =	vld.idx.msk [tilespmem:v28+s3+$0x0], vm8  }
0x83: {  	v27 =	vld [tilespmem:s18+$0x3A70]  }
0x84: {  	v16 =	vand.u32 $0x7F, v16;
	v29 =	vld [tilespmem:s18+$0x3A40]  }
0x85: {  	v28 =	vand.u32 $0xFFFFFF80, v25;
	v17 =	vand.u32 $0x7F, v17;
	vm13 =	vmmov vm8;
	v38 =	vld [tilespmem:s18+$0x3A50]  }
0x86: {  	vm8 =	vmmov vm9;
	vm12 =	vlt.u32 v21, $0x3800;
	v37 =	vor.u32 v22, v24;
	v39 =	vld [tilespmem:s18+$0x3A60]  }
0x87: {  	vm11 =	vlt.u32 v23, $0x3800;
	vm10 =	vlt.u32 v25, $0x3800;
	v10 =	vadd.f32 v14, v10  }
0x88: {  	v16 =	vor.u32 v16, v26;
	v17 =	vor.u32 v17, v28;
	v19 =	vnsel vm6, $0x0, v19  }
0x89: {  	v18 =	vnsel vm7, $0x0, v18;
	v20 =	vnsel vm13, $0x0, v20;
	v40 =	vsub.s32 v27, v0  }
0x8a: {  	v41 =	vand.u32 $0x7F, v27;
	v42 =	vsub.s32 v29, v0;
	v43 =	vsub.s32 v38, v0  }
0x8b: {  	v44 =	vand.u32 $0x7F, v29;
	v47 =	vsub.s32 v39, v0;
	v22 =	vand.u32 $0x7F, v38  }
0x8c: {  	v14 =	vand.u32 $0x7F, v39;
	vm6 =	vlt.u32 v40, $0x3800;
	v23 =	vand.u32 $0xFFFFFF80, v40  }
0x8d: {  	v15 =	vld.idx.msk [tilespmem:v15+s3+$0x0], vm9;
	v45 =	vand.u32 $0xFFFFFF80, v42;
	vm7 =	vlt.u32 v42, $0x3800;
	v23 =	vor.u32 v41, v23  }
0x8e: {  	v51 =	vld [tilespmem:$0x3A30];
	v46 =	vand.u32 $0xFFFFFF80, v43;
	vm9 =	vlt.u32 v43, $0x3800;
	v48 =	vor.u32 v44, v45  }
0x8f: {  	v21 =	vld.idx.msk [tilespmem:v37+s3+$0x0], vm12;
	v49 =	vand.u32 $0xFFFFFF80, v47;
	vm13 =	vlt.u32 v47, $0x3800;
	v22 =	vor.u32 v22, v46  }
0x90: {  	vm5 =	vmand vm5, vm1;
	v3 =	vadd.f32 v4, v3;
	v16 =	vld.idx.msk [tilespmem:v16+s3+$0x0], vm11;
	v14 =	vor.u32 v14, v49  }
0x91: {  	v2 =	vadd.f32 v2, v5;
	vm15 =	vmmov vm10;
	v11 =	vadd.f32 v19, v11;
	v17 =	vld.idx.msk [tilespmem:v17+s3+$0x0], vm10  }
0x92: {  	v12 =	vadd.f32 v18, v12;
	v15 =	vnsel vm8, $0x0, v15;
	v10 =	vadd.f32 v20, v10;
	v50 =	vld.idx.msk [tilespmem:v23+s3+$0x0], vm6  }
0x93: {  	v57 =	vsub.s32 v51, v0;
	v18 =	vand.u32 $0x7F, v51;
	vm12 =	vmmov vm12;
	v53 =	vld.idx.msk [tilespmem:v48+s3+$0x0], vm7  }
0x94: {  	vm11 =	vmmov vm11;
	v13 =	vadd.f32 v15, v13;
	v15 =	vand.u32 $0xFFFFFF80, v57;
	v55 =	vld.idx.msk [tilespmem:v22+s3+$0x0], vm9  }
0x95: {  	vm14 =	vlt.u32 v57, $0x3800;
	vm10 =	vmmov vm7;
	v15 =	vor.u32 v18, v15;
	v14 =	vld.idx.msk [tilespmem:v14+s3+$0x0], vm13  }
0x96: {  	v52 =	vnsel vm12, $0x0, v21;
	v54 =	vnsel vm11, $0x0, v16;
	vm12 =	vmmov vm9  }
0x97: {  	v17 =	vnsel vm15, $0x0, v17;
	vm15 =	vmmov vm13;
	v11 =	vadd.f32 v52, v11  }
0x98: {  	vm6 =	vmmov vm6;
	v12 =	vadd.f32 v54, v12;
	v10 =	vadd.f32 v17, v10  }
0x99: {  	v56 =	vnsel vm6, $0x0, v50;
	v58 =	vnsel vm10, $0x0, v53;
	v16 =	vnsel vm12, $0x0, v55  }
0x9a: {  	v14 =	vnsel vm15, $0x0, v14;
	v13 =	vadd.f32 v56, v13;
	v11 =	vadd.f32 v58, v11  }
0x9b: {  	v6 =	vld.idx.msk [tilespmem:v6+s3+$0x0], vm5;
	v59 =	vadd.f32 v16, v12;
	v60 =	vadd.f32 v14, v10  }
0x9c: {  	v2 =	vadd.f32 v2, v3  }
0x9d: {  	v3 =	vnsel vm2, $0x0, v7;
	v61 =	vld.idx.msk [tilespmem:v15+s3+$0x0], vm14;
	v4 =	vadd.f32 v59, v11;
	v5 =	vadd.f32 v13, v60  }
0x9e: {  	v2 =	vadd.f32 v3, v2  }
0x9f: {  	v3 =	vnsel vm3, $0x0, v8;
	v4 =	vadd.f32 v5, v4  }
0xa0: {  	v2 =	vadd.f32 v3, v2;
	v3 =	vnsel vm5, $0x0, v6  }
.Ltmp5:
0xa1: {  	v62 =	vnsel vm4, $0x0, v9;
	v3 =	vadd.f32 v3, v4;
	(pc) =	sbr.rel @p2 .LBB2_10-.Ltmp5, $4  }
0xa2: {  	v2 =	vadd.f32 v62, v2;
	v63 =	vnsel vm14, $0x0, v61  }
0xa3: {  	v3 =	vadd.f32 v63, v3  }
0xa4: {  	[tilespmem:$0x5800] =	vst v2  }
0xa5: {  	[tilespmem:$0x5880] =	vst v3  }
.LBB2_7:
0xa6: {  	s17 =	simm.s32 $0x0  }
0xa7: {  	v2 =	vld [tilespmem:s17+$0x3830]  }
0xa8: {  	v3 =	vld [tilespmem:s17+$0x3800]  }
0xa9: {  	v4 =	vld [tilespmem:s17+$0x3810]  }
0xaa: {  	v5 =	vld [tilespmem:s17+$0x3820];
	_ =	sdelay $0x2  }
0xab: {  	s30 =	simm.s32 $0x40;
	v6 =	vsub.s32 v2, v0;
	v2 =	vand.u32 $0x7F, v2  }
0xac: {  	v13 =	vld [tilespmem:s30+$0x3800];
	v7 =	vsub.s32 v3, v0;
	v8 =	vsub.s32 v4, v0;
	v3 =	vand.u32 $0x7F, v3  }
0xad: {  	v9 =	vld [tilespmem:s30+$0x3830];
	v12 =	vsub.s32 v5, v0;
	vm2 =	vlt.u32 v6, $0x3800;
	v6 =	vand.u32 $0xFFFFFF80, v6  }
0xae: {  	v4 =	vand.u32 $0x7F, v4;
	v5 =	vand.u32 $0x7F, v5;
	v6 =	vor.u32 v2, v6  }
0xaf: {  	s31 =	simm.s32 $0x80;
	v10 =	vand.u32 $0xFFFFFF80, v7;
	v11 =	vand.u32 $0xFFFFFF80, v8;
	vm5 =	vlt.u32 v7, $0x3800  }
0xb0: {  	v17 =	vld [tilespmem:s31+$0x3800];
	v7 =	vand.u32 $0xFFFFFF80, v12;
	vm6 =	vlt.u32 v8, $0x3800;
	v3 =	vor.u32 v3, v10  }
0xb1: {  	v8 =	vld [tilespmem:s30+$0x3810];
	vm7 =	vlt.u32 v12, $0x3800;
	v12 =	vand.u32 $0x7F, v13;
	v4 =	vor.u32 v4, v11  }
0xb2: {  	v2 =	vimm.f32 $0.0e+00;
	v5 =	vor.u32 v5, v7;
	v7 =	vld [tilespmem:s30+$0x3820];
	v10 =	vsub.s32 v9, v0  }
0xb3: {  	vm3 =	vmmov vm5;
	v9 =	vand.u32 $0x7F, v9;
	v11 =	vsub.s32 v13, v0;
	v6 =	vld.idx.msk [tilespmem:v6+s3+$0x0], vm2  }
0xb4: {  	vm8 =	vlt.u32 v10, $0x3800;
	v10 =	vand.u32 $0xFFFFFF80, v10;
	v13 =	vand.u32 $0xFFFFFF80, v11  }
0xb5: {  	vm4 =	vmmov vm6;
	v9 =	vor.u32 v9, v10;
	v18 =	vor.u32 v12, v13;
	v3 =	vld.idx.msk [tilespmem:v3+s3+$0x0], vm5  }
0xb6: {  	v13 =	vand.u32 $0x7F, v17;
	v10 =	vsub.s32 v8, v0;
	vm2 =	vmmov vm2;
	v4 =	vld.idx.msk [tilespmem:v4+s3+$0x0], vm6  }
0xb7: {  	v14 =	vand.u32 $0xFFFFFF80, v10;
	v15 =	vsub.s32 v7, v0;
	v5 =	vld.idx.msk [tilespmem:v5+s3+$0x0], vm7;
	v7 =	vand.u32 $0x7F, v7  }
0xb8: {  	vm9 =	vlt.u32 v10, $0x3800;
	v10 =	vld [tilespmem:s31+$0x3810];
	v16 =	vand.u32 $0xFFFFFF80, v15;
	v6 =	vnsel vm2, $0x0, v6  }
0xb9: {  	vm2 =	vlt.u32 v15, $0x3800;
	v19 =	vadd.f32 v6, v2;
	v6 =	vand.u32 $0x7F, v8;
	v8 =	vld [tilespmem:s31+$0x3830]  }
0xba: {  	v12 =	vld [tilespmem:s31+$0x3820];
	vm5 =	vmmov vm7;
	vm6 =	vmmov vm8;
	v7 =	vor.u32 v7, v16  }
0xbb: {  	vm7 =	vlt.u32 v11, $0x3800;
	v21 =	vld.idx.msk [tilespmem:v9+s3+$0x0], vm8;
	v3 =	vnsel vm3, $0x0, v3;
	v20 =	vor.u32 v6, v14  }
0xbc: {  	vm3 =	vmmov vm7;
	v4 =	vnsel vm4, $0x0, v4;
	vm4 =	vmmov vm9  }
0xbd: {  	v16 =	vsub.s32 v10, v0;
	v3 =	vadd.f32 v3, v2;
	v4 =	vadd.f32 v4, v2  }
0xbe: {  	v6 =	vnsel vm5, $0x0, v5;
	v14 =	vsub.s32 v17, v0;
	v9 =	vsub.s32 v8, v0  }
0xbf: {  	v17 =	vsub.s32 v12, v0;
	v8 =	vand.u32 $0x7F, v8;
	v7 =	vld.idx.msk [tilespmem:v7+s3+$0x0], vm2;
	v5 =	vand.u32 $0xFFFFFF80, v9  }
0xc0: {  	vm5 =	vlt.u32 v9, $0x3800;
	v9 =	vld.idx.msk [tilespmem:v20+s3+$0x0], vm9;
	v11 =	vor.u32 v8, v5;
	v5 =	vnsel vm6, $0x0, v21  }
0xc1: {  	s18 =	simm.s32 $0xC0;
	s17 =	simm.s32 $0x400;
	v15 =	vand.u32 $0xFFFFFF80, v14;
	v8 =	vld.idx.msk [tilespmem:v18+s3+$0x0], vm7;
	v18 =	vand.u32 $0xFFFFFF80, v16;
	v5 =	vadd.f32 v5, v19  }
.LBB2_8:
0xc2: {  	v10 =	vand.u32 $0x7F, v10;
	v20 =	vand.u32 $0xFFFFFF80, v17  }
0xc3: {  	p3 =	sne.s32 s17, $0x7F00;
	v19 =	vld [tilespmem:s18+$0x3830];
	v12 =	vand.u32 $0x7F, v12;
	vm7 =	vmmov vm2;
	vm6 =	vmmov vm5  }
0xc4: {  	vm8 =	vlt.u32 v14, $0x3800;
	v15 =	vor.u32 v13, v15;
	vm9 =	vlt.u32 v16, $0x3800;
	v21 =	vld [tilespmem:s18+$0x3800]  }
0xc5: {  	vm2 =	vlt.u32 v17, $0x3800;
	v18 =	vor.u32 v10, v18;
	v20 =	vor.u32 v12, v20;
	v17 =	vld.idx.msk [tilespmem:v11+s3+$0x0], vm5  }
0xc6: {  	v2 =	vadd.f32 v6, v2;
	v8 =	vnsel vm3, $0x0, v8;
	vm3 =	vmmov vm8;
	v10 =	vld [tilespmem:s18+$0x3810]  }
0xc7: {  	v3 =	vadd.f32 v8, v3;
	v6 =	vnsel vm4, $0x0, v9;
	vm4 =	vmmov vm9;
	v12 =	vld [tilespmem:s18+$0x3820]  }
.Ltmp6:
0xc8: {  	v4 =	vadd.f32 v6, v4;
	v6 =	vnsel vm7, $0x0, v7;
	v8 =	vsub.s32 v19, v0;
	(pc) =	sbr.rel @p3 .LBB2_8-.Ltmp6, $4  }
0xc9: {  	vm5 =	vlt.u32 v8, $0x3800;
	v7 =	vand.u32 $0xFFFFFF80, v8;
	v8 =	vand.u32 $0x7F, v19  }
0xca: {  	v14 =	vsub.s32 v21, v0;
	v13 =	vand.u32 $0x7F, v21;
	v11 =	vor.u32 v8, v7;
	v8 =	vld.idx.msk [tilespmem:v15+s3+$0x0], vm8  }
0xcb: {  	v15 =	vand.u32 $0xFFFFFF80, v14;
	v19 =	vnsel vm6, $0x0, v17;
	v16 =	vsub.s32 v10, v0;
	v9 =	vld.idx.msk [tilespmem:v18+s3+$0x0], vm9  }
0xcc: {  	s18 =	sshra.s32 s17, $0x2;
	s17 =	sadd.s32 $0x100, s17;
	v5 =	vadd.f32 v19, v5;
	v18 =	vand.u32 $0xFFFFFF80, v16;
	v17 =	vsub.s32 v12, v0;
	v7 =	vld.idx.msk [tilespmem:v20+s3+$0x0], vm2  }
0xcd: {  	v19 =	vld [tilespmem:s18+$0x3830]  }
0xce: {  	v20 =	vld [tilespmem:s18+$0x3800]  }
0xcf: {  	v21 =	vld [tilespmem:s18+$0x3810]  }
0xd0: {  	v10 =	vand.u32 $0x7F, v10;
	v43 =	vld [tilespmem:s18+$0x3820]  }
0xd1: {  	vm7 =	vlt.u32 v14, $0x3800;
	v42 =	vand.u32 $0xFFFFFF80, v17;
	v12 =	vand.u32 $0x7F, v12  }
0xd2: {  	v13 =	vor.u32 v13, v15;
	vm9 =	vlt.u32 v16, $0x3800;
	vm6 =	vlt.u32 v17, $0x3800  }
0xd3: {  	v10 =	vor.u32 v10, v18;
	v12 =	vor.u32 v12, v42;
	v44 =	vsub.s32 v19, v0  }
0xd4: {  	v45 =	vand.u32 $0x7F, v19;
	v46 =	vsub.s32 v20, v0;
	v47 =	vand.u32 $0x7F, v20  }
0xd5: {  	v48 =	vsub.s32 v21, v0;
	v21 =	vand.u32 $0x7F, v21;
	v51 =	vsub.s32 v43, v0  }
0xd6: {  	v14 =	vand.u32 $0x7F, v43;
	vm8 =	vlt.u32 v44, $0x3800;
	v15 =	vand.u32 $0xFFFFFF80, v44  }
0xd7: {  	v49 =	vand.u32 $0xFFFFFF80, v46;
	vm10 =	vlt.u32 v46, $0x3800;
	v15 =	vor.u32 v45, v15  }
0xd8: {  	v11 =	vld.idx.msk [tilespmem:v11+s3+$0x0], vm5;
	v50 =	vand.u32 $0xFFFFFF80, v48;
	vm11 =	vlt.u32 v48, $0x3800;
	v16 =	vor.u32 v47, v49  }
0xd9: {  	v13 =	vld.idx.msk [tilespmem:v13+s3+$0x0], vm7;
	v53 =	vand.u32 $0xFFFFFF80, v51;
	vm12 =	vlt.u32 v51, $0x3800;
	v52 =	vor.u32 v21, v50  }
0xda: {  	v10 =	vld.idx.msk [tilespmem:v10+s3+$0x0], vm9;
	v14 =	vor.u32 v14, v53  }
0xdb: {  	vm2 =	vmmov vm2;
	v2 =	vadd.f32 v6, v2;
	vm13 =	vmmov vm9;
	v12 =	vld.idx.msk [tilespmem:v12+s3+$0x0], vm6  }
0xdc: {  	v8 =	vnsel vm3, $0x0, v8;
	vm3 =	vmmov vm5;
	v9 =	vnsel vm4, $0x0, v9;
	v54 =	vld.idx.msk [tilespmem:v15+s3+$0x0], vm8  }
0xdd: {  	v3 =	vadd.f32 v8, v3;
	v4 =	vadd.f32 v9, v4;
	v7 =	vnsel vm2, $0x0, v7;
	v55 =	vld.idx.msk [tilespmem:v16+s3+$0x0], vm10  }
0xde: {  	vm2 =	vmmov vm6;
	v11 =	vnsel vm3, $0x0, v11;
	vm3 =	vmmov vm7;
	v56 =	vld.idx.msk [tilespmem:v52+s3+$0x0], vm11  }
0xdf: {  	v2 =	vadd.f32 v7, v2;
	v5 =	vadd.f32 v11, v5;
	vm14 =	vmmov vm8;
	v58 =	vld.idx.msk [tilespmem:v14+s3+$0x0], vm12  }
0xe0: {  	vm15 =	vmmov vm11;
	v57 =	vnsel vm3, $0x0, v13;
	vm3 =	vmmov vm10  }
0xe1: {  	v59 =	vnsel vm13, $0x0, v10;
	v60 =	vnsel vm2, $0x0, v12;
	v3 =	vadd.f32 v57, v3  }
0xe2: {  	vm2 =	vmmov vm12;
	v4 =	vadd.f32 v59, v4;
	v2 =	vadd.f32 v60, v2  }
0xe3: {  	v6 =	vnsel vm14, $0x0, v54;
	v61 =	vnsel vm3, $0x0, v55;
	v62 =	vnsel vm15, $0x0, v56  }
0xe4: {  	v63 =	vnsel vm2, $0x0, v58;
	v5 =	vadd.f32 v6, v5;
	v3 =	vadd.f32 v61, v3  }
0xe5: {  	v4 =	vadd.f32 v62, v4;
	v2 =	vadd.f32 v63, v2;
	_ =	sdelay $0x1  }
0xe6: {  	v3 =	vadd.f32 v4, v3;
	v2 =	vadd.f32 v5, v2;
	_ =	sdelay $0x1  }
0xe7: {  	v2 =	vadd.f32 v2, v3  }
0xe8: {  	[tilespmem:$0x5800] =	vst v1  }
0xe9: {  	[tilespmem:$0x5880] =	vst v2  }
.LBB2_10:
0xea: {  	[spmem:s6] =	stream.linear.scatter [tilespmem:s12], [sflag:$0x3], $0x100, $0x38;
	[tilespmem:$0x69A0] =	vst v63  }
.Ltmp7:
0xeb: {  	_ =	swait.ge [sflag:s13], $0x100;
	(pc) =	sbr.rel @p1 .LBB2_12-.Ltmp7, $3  }
0xec: {  	[sflag:s13] =	ssyncset.done $0x0  }
0xed: {  	[sflag:s13] =	ssyncadd.s32 $0xFFFFFF00  }
0xee: {  	[bflag:$0x0] =	sbarrier.arrive $0xFFFF;
	_ =	sdelay $0x1  }
0xef: {  	[tilespmem:s14], [sflag:$0x3] =	stream.linear.gather [spmem:s2], $0x1000, $0x38;
	[tilespmem:$0x69A0] =	vst v63  }
0xf0: {  	_ =	swait.ge [sflag:s13], $0x1000  }
0xf1: {  	[sflag:s13] =	ssyncset.done $0x0  }
0xf2: {  	[sflag:s13] =	ssyncadd.s32 $0xFFFFF000  }
0xf3: {  	v2 =	vld [tilespmem:$0x5900]  }
0xf4: {  	v3 =	vld [tilespmem:$0x5980]  }
0xf5: {  	v4 =	vld [tilespmem:$0x5A00]  }
0xf6: {  	v5 =	vld [tilespmem:$0x5A80]  }
0xf7: {  	v6 =	vld [tilespmem:$0x5B00]  }
0xf8: {  	v7 =	vld [tilespmem:$0x5B80];
	v2 =	vadd.f32 $0.0e+00, v2  }
0xf9: {  	v8 =	vld [tilespmem:$0x5C00];
	v3 =	vadd.f32 $0.0e+00, v3  }
0xfa: {  	v39 =	vld [tilespmem:$0x5C80];
	v2 =	vadd.f32 v4, v2  }
0xfb: {  	v40 =	vld [tilespmem:$0x5D00];
	v3 =	vadd.f32 v5, v3  }
0xfc: {  	v41 =	vld [tilespmem:$0x5D80];
	v2 =	vadd.f32 v6, v2  }
0xfd: {  	v42 =	vld [tilespmem:$0x5E00];
	v3 =	vadd.f32 v7, v3  }
0xfe: {  	v43 =	vld [tilespmem:$0x5E80];
	v2 =	vadd.f32 v8, v2  }
0xff: {  	v44 =	vld [tilespmem:$0x5F00];
	v3 =	vadd.f32 v39, v3  }
0x100: {  	v45 =	vld [tilespmem:$0x5F80];
	v2 =	vadd.f32 v40, v2  }
0x101: {  	v46 =	vld [tilespmem:$0x6000];
	v3 =	vadd.f32 v41, v3  }
0x102: {  	v47 =	vld [tilespmem:$0x6080];
	v2 =	vadd.f32 v42, v2  }
0x103: {  	v48 =	vld [tilespmem:$0x6100];
	v3 =	vadd.f32 v43, v3  }
0x104: {  	v49 =	vld [tilespmem:$0x6180];
	v2 =	vadd.f32 v44, v2  }
0x105: {  	v50 =	vld [tilespmem:$0x6200];
	v3 =	vadd.f32 v45, v3  }
0x106: {  	v51 =	vld [tilespmem:$0x6280];
	v2 =	vadd.f32 v46, v2  }
0x107: {  	v52 =	vld [tilespmem:$0x6300];
	v3 =	vadd.f32 v47, v3  }
0x108: {  	v53 =	vld [tilespmem:$0x6380];
	v2 =	vadd.f32 v48, v2  }
0x109: {  	v54 =	vld [tilespmem:$0x6400];
	v3 =	vadd.f32 v49, v3  }
0x10a: {  	v55 =	vld [tilespmem:$0x6480];
	v2 =	vadd.f32 v50, v2  }
0x10b: {  	v56 =	vld [tilespmem:$0x6500];
	v3 =	vadd.f32 v51, v3  }
0x10c: {  	v57 =	vld [tilespmem:$0x6580];
	v2 =	vadd.f32 v52, v2  }
0x10d: {  	v58 =	vld [tilespmem:$0x6600];
	v3 =	vadd.f32 v53, v3  }
0x10e: {  	v59 =	vld [tilespmem:$0x6680];
	v2 =	vadd.f32 v54, v2  }
0x10f: {  	v60 =	vld [tilespmem:$0x6700];
	v3 =	vadd.f32 v55, v3  }
0x110: {  	v61 =	vld [tilespmem:$0x6780];
	v2 =	vadd.f32 v56, v2  }
0x111: {  	v62 =	vld [tilespmem:$0x6800];
	v3 =	vadd.f32 v57, v3  }
0x112: {  	v63 =	vld [tilespmem:$0x6880];
	v2 =	vadd.f32 v58, v2  }
0x113: {  	v3 =	vadd.f32 v59, v3  }
0x114: {  	v2 =	vadd.f32 v60, v2  }
0x115: {  	v3 =	vadd.f32 v61, v3  }
0x116: {  	v2 =	vadd.f32 v62, v2  }
0x117: {  	v3 =	vadd.f32 v63, v3  }
0x118: {  	(xrf2) =	vadd.scan.msk.f32 $0xffff, v2  }
0x119: {  	(xrf2) =	vadd.scan.msk.f32 $0xffff, v3;
	_ =	sdelay $0x6  }
0x11a: {  	v2 =	vld [tilespmem:$0x37F0];
	_ =	sdelay $0x1  }
0x11b: {  	v3, _, _ =	vpop (xrf2)  }
0x11c: {  	(v2sf) =	vpush v3, $0xF;
	v3, _, _ =	vpop (xrf2)  }
0x11d: {  	(v2sf) =	vpush v3, $0xF  }
0x11e: {  	(v2sf) =	vpush v2, $0x0;
	_ =	sdelay $0xc  }
0x11f: {  	s17 =	spop (v2sf)  }
0x120: {  	s18 =	spop (v2sf);
	s17 =	smul.f32 $1.818181830e-03, s17  }
0x121: {  	s19 =	spop (v2sf)  }
0x122: {  	s17 =	sadd.f32 s19, s17;
	_ =	sdelay $0x1  }
0x123: {  	s17 =	ssub.f32 $0.0e+00, s17;
	_ =	sdelay $0x1  }
0x124: {  	v2 =	vmov s17  }
0x125: {  	v2 =	vmul.f32 $1.442695020e+00, v2;
	_ =	sdelay $0x1  }
0x126: {  	v2 =	vbroadcast v2, $0x0;
	_ =	sdelay $0x1  }
0x127: {  	(erf) = vpow2.f32 v2;
	_ =	sdelay $0x1  }
0x128: {  	s31 =	smul.f32 $6.315523210e-05, s18;
	_ =	sdelay $0x1  }
0x129: {  	s17 =	sadd.f32 s19, s31;
	_ =	sdelay $0x1  }
0x12a: {  	s17 =	ssub.f32 $0.0e+00, s17;
	_ =	sdelay $0x1  }
0x12b: {  	v2 =	vmov s17  }
0x12c: {  	v2 =	vmul.f32 $1.442695020e+00, v2;
	v3 =	vpop (erf)  }
0x12d: {  	v3 =	vadd.f32 $1.000000000e+00, v3  }
0x12e: {  	v2 =	vbroadcast v2, $0x0  }
0x12f: {  	(erf) = vrcp.f32 v3  }
0x130: {  	(erf) = vpow2.f32 v2;
	_ =	sdelay $0x7  }
0x131: {  	v2 =	vpop (erf)  }
0x132: {  	v3 =	vpop (erf)  }
0x133: {  	v3 =	vadd.f32 $1.000000000e+00, v3;
	_ =	sdelay $0x1  }
0x134: {  	(erf) = vrcp.f32 v3;
	_ =	sdelay $0x8  }
0x135: {  	v3 =	vpop (erf)  }
0x136: {  	v2 =	vadd.f32 v3, v2;
	_ =	sdelay $0x1  }
0x137: {  	v2 =	vmul.f32 $5.000000000e-01, v2;
	_ =	sdelay $0x1  }
.Ltmp8:
0x138: {  	[tilespmem:$0x6900] =	vst v2;
	(pc) =	sbr.rel .LBB2_12-.Ltmp8, $4  }
0x139: {  	[hbm4b:s7+s3] =	stream.linear.scatter [tilespmem:s15], [sflag:$0x3], $0x10, $0x38;
	[tilespmem:$0x69A0] =	vst v63  }
0x13a: {  	_ =	swait.ge [sflag:s13], $0x10  }
0x13b: {  	[sflag:s13] =	ssyncset.done $0x0  }
0x13c: {  	[sflag:s13] =	ssyncadd.s32 $0xFFFFFFF0  }
.LBB2_13:
0x13d: {  	_ =	sfence.sel $0x180000  }
0x13e: {  	[bflag:$0x0] =	sbarrier.arrive $0xFFFF  }
0x13f: {  	p0 =	sne.s32 s1, $0x0;
	_ =	strace $0x90000047  }
0x140: {  	s0 =	sadd.s32 @!p0 $0x100000, s0;
	[bflag:$0x2] =	sbarrier.arrive $0xFFFF  }
0x141: {  	[sflag:s0] =	ssyncadd.tile.s32 @!p0 $0x1;
	_ =	shalt  }
.Lfunc_end2:
_tile_overlayer_lowered:
.L_overlay_start_2:
0x142: {  	(tag) =	ssettag $0x2  }
0x143: {  	s0 =	rddreg [dreg:$0x0];
	s2 =	stileid.u32  }
0x144: {  	s1 =	rddreg [dreg:$0x1];
	p0 =	sne.s32 s2, $0x0  }
0x145: {  	s3 =	rddreg [dreg:$0x2];
	[bflag:$0x3] =	sbarrier.arrive $0xFFFF;
	s2 =	simm.s32 @!p0 $0x1C03  }
0x146: {  	[timem:s3], [sflag:s2] =	dma.local @!p0 [hbm:s0], s1  }
0x147: {  	s0 =	simm.s32 @!p0 $0x3  }
0x148: {  	_ =	swait.ge @!p0 [sflag:s0], s1  }
0x149: {  	s1 =	ssub.s32 @!p0 $0x0, s1;
	[sflag:s0] =	ssyncset.done @!p0 $0x0  }
0x14a: {  	[sflag:s0] =	ssyncadd.s32 @!p0 s1  }
0x14b: {  	[bflag:$0x3] =	sbarrier.arrive $0xFFFF  }
0x14c: {  	_ =	shalt  }

</sc_bundles>
